<compile_context>
chip_gen: v7x
topology: tpu7x:2x2x1
jax: 0.10.2.dev20260603
libtpu: 0.0.44.dev20260713+nightly
codegen_flags: <defaults>
</compile_context>

<pallas_src>
import functools

import jax
import jax.numpy as jnp
from jax import lax
from jax.experimental import pallas as pl
from jax.experimental.pallas import tpu as pltpu
from jax.experimental.pallas import tpu_sc as plsc

N_NODES = 10000
N_EDGES = 320000
D = 128
NUM_RELS = 16
NUM_BASES = 8

NW = 32
CHUNK = 80
NCHUNK = 126
EPW = NCHUNK * CHUNK
E_PAD = NW * EPW
NPAIR = NCHUNK // 2
N_PAD = 10240
RPT = N_PAD // 16


def _proj_body(wc_ref, w_ref, h_ref, out_ref):
    r = pl.program_id(0)
    rel_w = wc_ref[r, 0] * w_ref[0]
    for b in range(1, NUM_BASES):
        rel_w = rel_w + wc_ref[r, b] * w_ref[b]
    out_ref[0] = jnp.dot(h_ref[...], rel_w, preferred_element_type=jnp.float32)


def _proj(h, weight, w_comp):
    return pl.pallas_call(
        _proj_body,
        grid=(NUM_RELS,),
        in_specs=[
            pl.BlockSpec(memory_space=pltpu.SMEM),
            pl.BlockSpec((NUM_BASES, D, D), lambda r: (0, 0, 0)),
            pl.BlockSpec((N_NODES, D), lambda r: (0, 0)),
        ],
        out_specs=pl.BlockSpec((1, N_NODES, D), lambda r: (r, 0, 0)),
        out_shape=jax.ShapeDtypeStruct((NUM_RELS, N_NODES, D), jnp.float32),
    )(w_comp, weight, h)


def _sc_agg_body(proj_hbm, gidx_hbm, dst_hbm, zrow_hbm,
                 part_out, deg_out,
                 gi_a, gi_b, ds_a, ds_b, rows_a, rows_b, ones_v, acc_sh,
                 sem_ga, sem_gb):
    cid = lax.axis_index("c")
    sid = lax.axis_index("s")
    wid = sid * 2 + cid

    pltpu.sync_copy(zrow_hbm, acc_sh.at[pl.ds(sid * RPT, RPT)])

    def fill_ones(i, carry):
        for j in range(D // 16):
            ones_v[i, pl.ds(j * 16, 16)] = jnp.ones((16,), jnp.float32)
        return carry

    lax.fori_loop(0, CHUNK, fill_ones, 0)
    plsc.subcore_barrier()

    base0 = wid * EPW

    def load_idx(i, gi, ds):
        pltpu.sync_copy(gidx_hbm.at[pl.ds(base0 + i * CHUNK, CHUNK)], gi)
        pltpu.sync_copy(dst_hbm.at[pl.ds(base0 + i * CHUNK, CHUNK)], ds)

    def wait_gather(buf, sem):
        pltpu.make_async_copy(proj_hbm.at[pl.ds(0, CHUNK)], buf, sem).wait()

    load_idx(0, gi_a, ds_a)
    pltpu.async_copy(proj_hbm.at[gi_a], rows_a, sem_ga)

    def pair(p, carry):
        i0 = 2 * p
        load_idx(i0 + 1, gi_b, ds_b)
        wait_gather(rows_a, sem_ga)
        pltpu.async_copy(proj_hbm.at[gi_b], rows_b, sem_gb)
        pltpu.sync_copy(rows_a, acc_sh.at[ds_a], add=True)

        @pl.when(p < NPAIR - 1)
        def _():
            load_idx(i0 + 2, gi_a, ds_a)
            pltpu.async_copy(proj_hbm.at[gi_a], rows_a, sem_ga)

        wait_gather(rows_b, sem_gb)
        pltpu.sync_copy(rows_b, acc_sh.at[ds_b], add=True)
        return carry

    lax.fori_loop(0, NPAIR, pair, 0)
    plsc.subcore_barrier()

    pltpu.sync_copy(acc_sh.at[pl.ds(sid * RPT, RPT)],
                    part_out.at[cid, pl.ds(sid * RPT, RPT)])
    plsc.subcore_barrier()

    pltpu.sync_copy(zrow_hbm, acc_sh.at[pl.ds(sid * RPT, RPT)])
    plsc.subcore_barrier()

    def body2(i, carry):
        pltpu.sync_copy(dst_hbm.at[pl.ds(base0 + i * CHUNK, CHUNK)], ds_a)
        pltpu.sync_copy(ones_v, acc_sh.at[ds_a], add=True)
        return carry

    lax.fori_loop(0, NCHUNK, body2, 0)
    plsc.subcore_barrier()

    pltpu.sync_copy(acc_sh.at[pl.ds(sid * RPT, RPT)],
                    deg_out.at[cid, pl.ds(sid * RPT, RPT)])


_sc_agg = functools.partial(
    pl.kernel,
    mesh=plsc.VectorSubcoreMesh(core_axis_name="c", subcore_axis_name="s"),
    out_type=[
        jax.ShapeDtypeStruct((2, N_PAD, D), jnp.float32),
        jax.ShapeDtypeStruct((2, N_PAD, D), jnp.float32),
    ],
    scratch_types=[
        pltpu.VMEM((CHUNK,), jnp.int32),
        pltpu.VMEM((CHUNK,), jnp.int32),
        pltpu.VMEM((CHUNK,), jnp.int32),
        pltpu.VMEM((CHUNK,), jnp.int32),
        pltpu.VMEM((CHUNK, D), jnp.float32),
        pltpu.VMEM((CHUNK, D), jnp.float32),
        pltpu.VMEM((CHUNK, D), jnp.float32),
        pltpu.VMEM_SHARED((N_PAD, D), jnp.float32),
        pltpu.SemaphoreType.DMA,
        pltpu.SemaphoreType.DMA,
    ],
)(_sc_agg_body)


def _combine_body(part_ref, degp_ref, h_ref, slw_ref, out_ref):
    deg = degp_ref[0, :N_NODES] + degp_ref[1, :N_NODES]
    s = jnp.log(deg + 1.0)
    mean = jnp.sum(s) * (1.0 / (N_NODES * D))
    scale = s * (1.0 / mean)
    nei = part_ref[0, :N_NODES] + part_ref[1, :N_NODES]
    out_ref[...] = (
        jnp.dot(h_ref[...], slw_ref[...], preferred_element_type=jnp.float32)
        + nei * scale
    )


def _combine(part, degp, h, slw):
    return pl.pallas_call(
        _combine_body,
        out_shape=jax.ShapeDtypeStruct((N_NODES, D), jnp.float32),
    )(part, degp, h, slw)


def kernel(h, edge_index, edge_type, weight, w_comp, self_loop_weight):
    src = edge_index[0].astype(jnp.int32)
    dst = edge_index[1].astype(jnp.int32)
    gidx = edge_type.astype(jnp.int32) * N_NODES + src

    pad = E_PAD - N_EDGES
    gidx_p = jnp.concatenate([gidx, jnp.zeros((pad,), jnp.int32)])
    dst_p = jnp.concatenate([dst, jnp.full((pad,), N_PAD - 1, jnp.int32)])

    all_proj = _proj(h, weight, w_comp).reshape(NUM_RELS * N_NODES, D)

    zrow = jnp.zeros((RPT, D), jnp.float32)
    part, degp = _sc_agg(all_proj, gidx_p, dst_p, zrow)

    return _combine(part, degp, h, self_loop_weight)

# --- scband reference (transcript-rebuilt; emitter-appended) ---
"""Pipeline reference for scband-rgcnlayer-35639638622237 (READ-ONLY COPY).

The authoritative reference and input builder live on the scoring server;
editing this copy changes nothing except your own understanding.
"""

import jax, jax.numpy as jnp
import numpy as np

N_NODES = 10000
N_EDGES = 320000
D_IN = 128
D_OUT = 128
NUM_RELS = 16
NUM_BASES = 8

def setup_inputs(seed: int = 0) -> dict:
    key = jax.random.key(seed)
    k_h, k_ei, k_et, k_w, k_wc, k_sl = jax.random.split(key, 6)
    h = jax.random.normal(k_h, (N_NODES, D_IN), dtype=jnp.float32)
    edge_index = jax.random.randint(k_ei, (2, N_EDGES), 0, N_NODES, dtype=jnp.int64)
    edge_type = jax.random.randint(k_et, (N_EDGES,), 0, NUM_RELS, dtype=jnp.int64)
    # xavier-uniform-ish parameter init
    def xavier(k, shape):
        fan_in, fan_out = shape[-2], shape[-1]
        gain = float(np.sqrt(2.0))
        a = gain * float(np.sqrt(6.0 / (fan_in + fan_out)))
        return jax.random.uniform(k, shape, dtype=jnp.float32, minval=-a, maxval=a)
    weight = xavier(k_w, (NUM_BASES, D_IN, D_OUT))
    w_comp = xavier(k_wc, (NUM_RELS, NUM_BASES))
    self_loop_weight = xavier(k_sl, (D_IN, D_OUT))
    return {"h": h, "edge_index": edge_index, "edge_type": edge_type,
            "weight": weight, "w_comp": w_comp, "self_loop_weight": self_loop_weight}

def reference(h, edge_index, edge_type, weight, w_comp, self_loop_weight):
    num_bases, inp_dim, out_dim = weight.shape
    num_rels = w_comp.shape[0]
    N = h.shape[0]
    E = edge_index.shape[1]
    # basis decomposition: rel_weight[r] = sum_b w_comp[r,b] * weight[b]
    rel_weight = jnp.matmul(w_comp, weight.reshape(num_bases, inp_dim * out_dim)).reshape(num_rels, inp_dim, out_dim)
    src = edge_index[0]
    dst = edge_index[1]
    # in-degree based scale: log(in_deg + 1) / mean
    in_deg = jnp.zeros((N,), dtype=jnp.float32).at[dst].add(1.0)
    scale = jnp.log(in_deg + 1.0)
    scale = scale / scale.mean()
    # per-edge message msg[e] = h[src[e]] @ rel_weight[edge_type[e]]
    # computed as all-relation projection followed by 2D gather (same math as per-edge bmm)
    all_proj = jnp.einsum('ni,rio->rno', h, rel_weight)
    msg = all_proj[edge_type, src]  # [E, out_dim]
    # edge dropout in eval mode = identity; edge weight w = 1, alpha = 1 (has_attn=False)
    edge_w = jnp.ones((E, 1), dtype=jnp.float32)
    alpha = jnp.ones((E, 1), dtype=jnp.float32)
    msg = edge_w * msg
    # aggregator: sum of alpha-weighted neighbor messages, scaled by dst log-degree scale,
    # plus self-loop embedding (curr_emb)
    nei_msg = jax.ops.segment_sum(alpha * msg, dst, num_segments=N)
    curr_emb = jnp.matmul(h, self_loop_weight)
    node_repr = curr_emb + nei_msg * scale[:, None]
    # bias=None, activation=None, dropout=0 in eval -> identity
    return node_repr

if __name__ == "__main__":
    import jax
    _d = setup_inputs()
    print(jax.jit(kernel)(*tuple(_d.values())))

</pallas_src>

<mosaic_0001>
#map = affine_map<(d0, d1) -> (0, 0)>
#map1 = affine_map<(d0, d1) -> (0)>
#map2 = affine_map<(d0, d1) -> (0, 0, 0)>
module attributes {stable_mosaic.version = 14 : i64} {
  func.func @_sc_agg_body(%arg0: i32, %arg1: i32, %arg2: memref<160000x128xf32, #tpu.memory_space<hbm>>, %arg3: memref<322560xi32, #tpu.memory_space<hbm>>, %arg4: memref<322560xi32, #tpu.memory_space<hbm>>, %arg5: memref<640x128xf32, #tpu.memory_space<hbm>>, %arg6: memref<2x10240x128xf32, #tpu.memory_space<hbm>>, %arg7: memref<2x10240x128xf32, #tpu.memory_space<hbm>>, %arg8: memref<80xi32, #tpu.memory_space<vmem>>, %arg9: memref<80xi32, #tpu.memory_space<vmem>>, %arg10: memref<80xi32, #tpu.memory_space<vmem>>, %arg11: memref<80xi32, #tpu.memory_space<vmem>>, %arg12: memref<80x128xf32, #tpu.memory_space<vmem>>, %arg13: memref<80x128xf32, #tpu.memory_space<vmem>>, %arg14: memref<80x128xf32, #tpu.memory_space<vmem>>, %arg15: memref<10240x128xf32, #tpu.memory_space<vmem_shared>>, %arg16: memref<!tpu.dma_semaphore, #tpu.memory_space<semaphore_mem>>, %arg17: memref<!tpu.dma_semaphore, #tpu.memory_space<semaphore_mem>>) attributes {dimension_semantics = [#tpu.dimension_semantics<core_parallel>, #tpu.dimension_semantics<subcore_parallel>], iteration_bounds = array<i64: 2, 16>, scalar_prefetch = 0 : i64, scratch_operands = 10 : i64, tpu.core_type = #tpu.core_type<sc_vector_subcore>, window_params = [{transform_indices = #map}, {transform_indices = #map1}, {transform_indices = #map1}, {transform_indices = #map}, {transform_indices = #map2}, {transform_indices = #map2}]} {
    %mul3A = arith.constant 2 : i32
    %mul3A_0 = arith.muli %arg1, %mul3A : i32
    %add3A = arith.addi %mul3A_0, %arg0 : i32
    %mul3A_1 = arith.constant 640 : i32
    %mul3A_2 = arith.muli %arg1, %mul3A_1 : i32
    "tpu.region"() ({
      %run_scoped3A = tpu.sem_alloc : memref<!tpu.dma_semaphore, #tpu.memory_space<semaphore_mem>>
      %dma_start3A_42 = arith.constant 0 : i32
      %dma_start3A_43 = tpu.memref_slice %arg15[%mul3A_2, %dma_start3A_42] : memref<10240x128xf32, #tpu.memory_space<vmem_shared>> -> memref<640x128xf32, #tpu.memory_space<vmem_shared>>
      tpu.enqueue_dma source(%arg5 : memref<640x128xf32, #tpu.memory_space<hbm>>) target(%dma_start3A_43 : memref<640x128xf32, #tpu.memory_space<vmem_shared>>) target_semaphore(%run_scoped3A : memref<!tpu.dma_semaphore, #tpu.memory_space<semaphore_mem>>)
      %dma_wait3A = arith.constant 0 : i32
      %dma_wait3A_44 = tpu.memref_slice %arg15[%mul3A_2, %dma_wait3A] : memref<10240x128xf32, #tpu.memory_space<vmem_shared>> -> memref<640x128xf32, #tpu.memory_space<vmem_shared>>
      tpu.wait_dma2 semaphore(%run_scoped3A : memref<!tpu.dma_semaphore, #tpu.memory_space<semaphore_mem>>) src(%arg5 : memref<640x128xf32, #tpu.memory_space<hbm>>) dst(%dma_wait3A_44 : memref<640x128xf32, #tpu.memory_space<vmem_shared>>)
      tpu.yield
    }) : () -> ()
    %scan3A = arith.constant 0 : i32
    %scan3A_3 = arith.constant 0 : i32
    %scan3A_4 = arith.constant 80 : i32
    %scan3A_5 = arith.addi %scan3A_3, %scan3A_4 : i32
    %scan3A_6 = arith.constant 1 : i32
    scf.for %scan3A_42 = %scan3A_3 to %scan3A_5 step %scan3A_6  : i32 {
      %broadcast_in_dim3A = arith.constant 1.000000e+00 : f32
      %broadcast_in_dim3A_43 = vector.broadcast %broadcast_in_dim3A : f32 to vector<16xf32>
      %swap3A = arith.index_cast %scan3A_42 : i32 to index
      %swap3A_44 = arith.constant 0 : index
      %swap3A_45 = tpu.vector_load %arg14[%swap3A, %swap3A_44] {strides = array<i32>} : memref<80x128xf32, #tpu.memory_space<vmem>>, vector<1x16xf32>,
      %swap3A_46 = vector.shape_cast %swap3A_45 : vector<1x16xf32> to vector<16xf32>
      %swap3A_47 = vector.shape_cast %broadcast_in_dim3A_43 : vector<16xf32> to vector<1x16xf32>
      tpu.vector_store %arg14[%swap3A, %swap3A_44], %swap3A_47 {strides = array<i32>} : memref<80x128xf32, #tpu.memory_space<vmem>>, vector<1x16xf32>,
      %broadcast_in_dim3A_48 = arith.constant 1.000000e+00 : f32
      %broadcast_in_dim3A_49 = vector.broadcast %broadcast_in_dim3A_48 : f32 to vector<16xf32>
      %swap3A_50 = arith.index_cast %scan3A_42 : i32 to index
      %swap3A_51 = arith.constant 16 : index
      %swap3A_52 = tpu.vector_load %arg14[%swap3A_50, %swap3A_51] {strides = array<i32>} : memref<80x128xf32, #tpu.memory_space<vmem>>, vector<1x16xf32>,
      %swap3A_53 = vector.shape_cast %swap3A_52 : vector<1x16xf32> to vector<16xf32>
      %swap3A_54 = vector.shape_cast %broadcast_in_dim3A_49 : vector<16xf32> to vector<1x16xf32>
      tpu.vector_store %arg14[%swap3A_50, %swap3A_51], %swap3A_54 {strides = array<i32>} : memref<80x128xf32, #tpu.memory_space<vmem>>, vector<1x16xf32>,
      %broadcast_in_dim3A_55 = arith.constant 1.000000e+00 : f32
      %broadcast_in_dim3A_56 = vector.broadcast %broadcast_in_dim3A_55 : f32 to vector<16xf32>
      %swap3A_57 = arith.index_cast %scan3A_42 : i32 to index
      %swap3A_58 = arith.constant 32 : index
      %swap3A_59 = tpu.vector_load %arg14[%swap3A_57, %swap3A_58] {strides = array<i32>} : memref<80x128xf32, #tpu.memory_space<vmem>>, vector<1x16xf32>,
      %swap3A_60 = vector.shape_cast %swap3A_59 : vector<1x16xf32> to vector<16xf32>
      %swap3A_61 = vector.shape_cast %broadcast_in_dim3A_56 : vector<16xf32> to vector<1x16xf32>
      tpu.vector_store %arg14[%swap3A_57, %swap3A_58], %swap3A_61 {strides = array<i32>} : memref<80x128xf32, #tpu.memory_space<vmem>>, vector<1x16xf32>,
      %broadcast_in_dim3A_62 = arith.constant 1.000000e+00 : f32
      %broadcast_in_dim3A_63 = vector.broadcast %broadcast_in_dim3A_62 : f32 to vector<16xf32>
      %swap3A_64 = arith.index_cast %scan3A_42 : i32 to index
      %swap3A_65 = arith.constant 48 : index
      %swap3A_66 = tpu.vector_load %arg14[%swap3A_64, %swap3A_65] {strides = array<i32>} : memref<80x128xf32, #tpu.memory_space<vmem>>, vector<1x16xf32>,
      %swap3A_67 = vector.shape_cast %swap3A_66 : vector<1x16xf32> to vector<16xf32>
      %swap3A_68 = vector.shape_cast %broadcast_in_dim3A_63 : vector<16xf32> to vector<1x16xf32>
      tpu.vector_store %arg14[%swap3A_64, %swap3A_65], %swap3A_68 {strides = array<i32>} : memref<80x128xf32, #tpu.memory_space<vmem>>, vector<1x16xf32>,
      %broadcast_in_dim3A_69 = arith.constant 1.000000e+00 : f32
      %broadcast_in_dim3A_70 = vector.broadcast %broadcast_in_dim3A_69 : f32 to vector<16xf32>
      %swap3A_71 = arith.index_cast %scan3A_42 : i32 to index
      %swap3A_72 = arith.constant 64 : index
      %swap3A_73 = tpu.vector_load %arg14[%swap3A_71, %swap3A_72] {strides = array<i32>} : memref<80x128xf32, #tpu.memory_space<vmem>>, vector<1x16xf32>,
      %swap3A_74 = vector.shape_cast %swap3A_73 : vector<1x16xf32> to vector<16xf32>
      %swap3A_75 = vector.shape_cast %broadcast_in_dim3A_70 : vector<16xf32> to vector<1x16xf32>
      tpu.vector_store %arg14[%swap3A_71, %swap3A_72], %swap3A_75 {strides = array<i32>} : memref<80x128xf32, #tpu.memory_space<vmem>>, vector<1x16xf32>,
      %broadcast_in_dim3A_76 = arith.constant 1.000000e+00 : f32
      %broadcast_in_dim3A_77 = vector.broadcast %broadcast_in_dim3A_76 : f32 to vector<16xf32>
      %swap3A_78 = arith.index_cast %scan3A_42 : i32 to index
      %swap3A_79 = arith.constant 80 : index
      %swap3A_80 = tpu.vector_load %arg14[%swap3A_78, %swap3A_79] {strides = array<i32>} : memref<80x128xf32, #tpu.memory_space<vmem>>, vector<1x16xf32>,
      %swap3A_81 = vector.shape_cast %swap3A_80 : vector<1x16xf32> to vector<16xf32>
      %swap3A_82 = vector.shape_cast %broadcast_in_dim3A_77 : vector<16xf32> to vector<1x16xf32>
      tpu.vector_store %arg14[%swap3A_78, %swap3A_79], %swap3A_82 {strides = array<i32>} : memref<80x128xf32, #tpu.memory_space<vmem>>, vector<1x16xf32>,
      %broadcast_in_dim3A_83 = arith.constant 1.000000e+00 : f32
      %broadcast_in_dim3A_84 = vector.broadcast %broadcast_in_dim3A_83 : f32 to vector<16xf32>
      %swap3A_85 = arith.index_cast %scan3A_42 : i32 to index
      %swap3A_86 = arith.constant 96 : index
      %swap3A_87 = tpu.vector_load %arg14[%swap3A_85, %swap3A_86] {strides = array<i32>} : memref<80x128xf32, #tpu.memory_space<vmem>>, vector<1x16xf32>,
      %swap3A_88 = vector.shape_cast %swap3A_87 : vector<1x16xf32> to vector<16xf32>
      %swap3A_89 = vector.shape_cast %broadcast_in_dim3A_84 : vector<16xf32> to vector<1x16xf32>
      tpu.vector_store %arg14[%swap3A_85, %swap3A_86], %swap3A_89 {strides = array<i32>} : memref<80x128xf32, #tpu.memory_space<vmem>>, vector<1x16xf32>,
      %broadcast_in_dim3A_90 = arith.constant 1.000000e+00 : f32
      %broadcast_in_dim3A_91 = vector.broadcast %broadcast_in_dim3A_90 : f32 to vector<16xf32>
      %swap3A_92 = arith.index_cast %scan3A_42 : i32 to index
      %swap3A_93 = arith.constant 112 : index
      %swap3A_94 = tpu.vector_load %arg14[%swap3A_92, %swap3A_93] {strides = array<i32>} : memref<80x128xf32, #tpu.memory_space<vmem>>, vector<1x16xf32>,
      %swap3A_95 = vector.shape_cast %swap3A_94 : vector<1x16xf32> to vector<16xf32>
      %swap3A_96 = vector.shape_cast %broadcast_in_dim3A_91 : vector<16xf32> to vector<1x16xf32>
      tpu.vector_store %arg14[%swap3A_92, %swap3A_93], %swap3A_96 {strides = array<i32>} : memref<80x128xf32, #tpu.memory_space<vmem>>, vector<1x16xf32>,
    }
    %scan3A_7 = arith.constant 80 : i32
    %barrier3A = arith.constant 0 : index
    tpu.barrier barrier_id(%barrier3A)
    %mul3A_8 = arith.constant 10080 : i32
    %mul3A_9 = arith.muli %add3A, %mul3A_8 : i32
    %add3A_10 = arith.constant 0 : i32
    %add3A_11 = arith.addi %mul3A_9, %add3A_10 : i32
    "tpu.region"() ({
      %run_scoped3A = tpu.sem_alloc : memref<!tpu.dma_semaphore, #tpu.memory_space<semaphore_mem>>
      %dma_start3A_42 = tpu.memref_slice %arg3[%add3A_11] : memref<322560xi32, #tpu.memory_space<hbm>> -> memref<80xi32, #tpu.memory_space<hbm>>
      %dma_start3A_43 = tpu.memref_slice %arg3[%add3A_11] : memref<322560xi32, #tpu.memory_space<hbm>> -> memref<80xi32, #tpu.memory_space<hbm>>
      tpu.enqueue_dma source(%dma_start3A_43 : memref<80xi32, #tpu.memory_space<hbm>>) target(%arg8 : memref<80xi32, #tpu.memory_space<vmem>>) target_semaphore(%run_scoped3A : memref<!tpu.dma_semaphore, #tpu.memory_space<semaphore_mem>>)
      %dma_wait3A = tpu.memref_slice %arg3[%add3A_11] : memref<322560xi32, #tpu.memory_space<hbm>> -> memref<80xi32, #tpu.memory_space<hbm>>
      %dma_wait3A_44 = tpu.memref_slice %arg3[%add3A_11] : memref<322560xi32, #tpu.memory_space<hbm>> -> memref<80xi32, #tpu.memory_space<hbm>>
      tpu.wait_dma2 semaphore(%run_scoped3A : memref<!tpu.dma_semaphore, #tpu.memory_space<semaphore_mem>>) src(%dma_wait3A_44 : memref<80xi32, #tpu.memory_space<hbm>>) dst(%arg8 : memref<80xi32, #tpu.memory_space<vmem>>)
      tpu.yield
    }) : () -> ()
    %add3A_12 = arith.constant 0 : i32
    %add3A_13 = arith.addi %mul3A_9, %add3A_12 : i32
    "tpu.region"() ({
      %run_scoped3A = tpu.sem_alloc : memref<!tpu.dma_semaphore, #tpu.memory_space<semaphore_mem>>
      %dma_start3A_42 = tpu.memref_slice %arg4[%add3A_13] : memref<322560xi32, #tpu.memory_space<hbm>> -> memref<80xi32, #tpu.memory_space<hbm>>
      %dma_start3A_43 = tpu.memref_slice %arg4[%add3A_13] : memref<322560xi32, #tpu.memory_space<hbm>> -> memref<80xi32, #tpu.memory_space<hbm>>
      tpu.enqueue_dma source(%dma_start3A_43 : memref<80xi32, #tpu.memory_space<hbm>>) target(%arg10 : memref<80xi32, #tpu.memory_space<vmem>>) target_semaphore(%run_scoped3A : memref<!tpu.dma_semaphore, #tpu.memory_space<semaphore_mem>>)
      %dma_wait3A = tpu.memref_slice %arg4[%add3A_13] : memref<322560xi32, #tpu.memory_space<hbm>> -> memref<80xi32, #tpu.memory_space<hbm>>
      %dma_wait3A_44 = tpu.memref_slice %arg4[%add3A_13] : memref<322560xi32, #tpu.memory_space<hbm>> -> memref<80xi32, #tpu.memory_space<hbm>>
      tpu.wait_dma2 semaphore(%run_scoped3A : memref<!tpu.dma_semaphore, #tpu.memory_space<semaphore_mem>>) src(%dma_wait3A_44 : memref<80xi32, #tpu.memory_space<hbm>>) dst(%arg10 : memref<80xi32, #tpu.memory_space<vmem>>)
      tpu.yield
    }) : () -> ()
    %dma_start3A = arith.constant 0 : i32
    %dma_start3A_14 = arith.constant 0 : i32
    %dma_start3A_15 = tpu.memref_slice %arg2[%dma_start3A, %dma_start3A_14] : memref<160000x128xf32, #tpu.memory_space<hbm>> -> memref<160000x128xf32, #tpu.memory_space<hbm>>
    tpu.enqueue_indirect_dma source(%dma_start3A_15 : memref<160000x128xf32, #tpu.memory_space<hbm>>) target(%arg12 : memref<80x128xf32, #tpu.memory_space<vmem>>) offsets(%arg8 : memref<80xi32, #tpu.memory_space<vmem>>) semaphore(%arg16 : memref<!tpu.dma_semaphore, #tpu.memory_space<semaphore_mem>>)
    %scan3A_16 = arith.constant 0 : i32
    %scan3A_17 = arith.constant 0 : i32
    %scan3A_18 = arith.constant 63 : i32
    %scan3A_19 = arith.addi %scan3A_17, %scan3A_18 : i32
    %scan3A_20 = arith.constant 1 : i32
    scf.for %scan3A_42 = %scan3A_17 to %scan3A_19 step %scan3A_20  : i32 {
      %mul3A_43 = arith.constant 2 : i32
      %mul3A_44 = arith.muli %mul3A_43, %scan3A_42 : i32
      %add3A_45 = arith.constant 1 : i32
      %add3A_46 = arith.addi %mul3A_44, %add3A_45 : i32
      %mul3A_47 = arith.constant 80 : i32
      %mul3A_48 = arith.muli %add3A_46, %mul3A_47 : i32
      %add3A_49 = arith.addi %mul3A_9, %mul3A_48 : i32
      "tpu.region"() ({
        %run_scoped3A = tpu.sem_alloc : memref<!tpu.dma_semaphore, #tpu.memory_space<semaphore_mem>>
        %dma_start3A_69 = tpu.memref_slice %arg3[%add3A_49] : memref<322560xi32, #tpu.memory_space<hbm>> -> memref<80xi32, #tpu.memory_space<hbm>>
        %dma_start3A_70 = tpu.memref_slice %arg3[%add3A_49] : memref<322560xi32, #tpu.memory_space<hbm>> -> memref<80xi32, #tpu.memory_space<hbm>>
        tpu.enqueue_dma source(%dma_start3A_70 : memref<80xi32, #tpu.memory_space<hbm>>) target(%arg9 : memref<80xi32, #tpu.memory_space<vmem>>) target_semaphore(%run_scoped3A : memref<!tpu.dma_semaphore, #tpu.memory_space<semaphore_mem>>)
        %dma_wait3A_71 = tpu.memref_slice %arg3[%add3A_49] : memref<322560xi32, #tpu.memory_space<hbm>> -> memref<80xi32, #tpu.memory_space<hbm>>
        %dma_wait3A_72 = tpu.memref_slice %arg3[%add3A_49] : memref<322560xi32, #tpu.memory_space<hbm>> -> memref<80xi32, #tpu.memory_space<hbm>>
        tpu.wait_dma2 semaphore(%run_scoped3A : memref<!tpu.dma_semaphore, #tpu.memory_space<semaphore_mem>>) src(%dma_wait3A_72 : memref<80xi32, #tpu.memory_space<hbm>>) dst(%arg9 : memref<80xi32, #tpu.memory_space<vmem>>)
        tpu.yield
      }) : () -> ()
      %mul3A_50 = arith.constant 80 : i32
      %mul3A_51 = arith.muli %add3A_46, %mul3A_50 : i32
      %add3A_52 = arith.addi %mul3A_9, %mul3A_51 : i32
      "tpu.region"() ({
        %run_scoped3A = tpu.sem_alloc : memref<!tpu.dma_semaphore, #tpu.memory_space<semaphore_mem>>
        %dma_start3A_69 = tpu.memref_slice %arg4[%add3A_52] : memref<322560xi32, #tpu.memory_space<hbm>> -> memref<80xi32, #tpu.memory_space<hbm>>
        %dma_start3A_70 = tpu.memref_slice %arg4[%add3A_52] : memref<322560xi32, #tpu.memory_space<hbm>> -> memref<80xi32, #tpu.memory_space<hbm>>
        tpu.enqueue_dma source(%dma_start3A_70 : memref<80xi32, #tpu.memory_space<hbm>>) target(%arg11 : memref<80xi32, #tpu.memory_space<vmem>>) target_semaphore(%run_scoped3A : memref<!tpu.dma_semaphore, #tpu.memory_space<semaphore_mem>>)
        %dma_wait3A_71 = tpu.memref_slice %arg4[%add3A_52] : memref<322560xi32, #tpu.memory_space<hbm>> -> memref<80xi32, #tpu.memory_space<hbm>>
        %dma_wait3A_72 = tpu.memref_slice %arg4[%add3A_52] : memref<322560xi32, #tpu.memory_space<hbm>> -> memref<80xi32, #tpu.memory_space<hbm>>
        tpu.wait_dma2 semaphore(%run_scoped3A : memref<!tpu.dma_semaphore, #tpu.memory_space<semaphore_mem>>) src(%dma_wait3A_72 : memref<80xi32, #tpu.memory_space<hbm>>) dst(%arg11 : memref<80xi32, #tpu.memory_space<vmem>>)
        tpu.yield
      }) : () -> ()
      %dma_wait3A = arith.constant 0 : i32
      %dma_wait3A_53 = arith.constant 0 : i32
      %dma_wait3A_54 = tpu.memref_slice %arg2[%dma_wait3A, %dma_wait3A_53] : memref<160000x128xf32, #tpu.memory_space<hbm>> -> memref<80x128xf32, #tpu.memory_space<hbm>>
      %dma_wait3A_55 = arith.constant 0 : i32
      %dma_wait3A_56 = arith.constant 0 : i32
      %dma_wait3A_57 = tpu.memref_slice %arg2[%dma_wait3A_55, %dma_wait3A_56] : memref<160000x128xf32, #tpu.memory_space<hbm>> -> memref<80x128xf32, #tpu.memory_space<hbm>>
      tpu.wait_dma2 semaphore(%arg16 : memref<!tpu.dma_semaphore, #tpu.memory_space<semaphore_mem>>) src(%dma_wait3A_57 : memref<80x128xf32, #tpu.memory_space<hbm>>) dst(%arg12 : memref<80x128xf32, #tpu.memory_space<vmem>>)
      %dma_start3A_58 = arith.constant 0 : i32
      %dma_start3A_59 = arith.constant 0 : i32
      %dma_start3A_60 = tpu.memref_slice %arg2[%dma_start3A_58, %dma_start3A_59] : memref<160000x128xf32, #tpu.memory_space<hbm>> -> memref<160000x128xf32, #tpu.memory_space<hbm>>
      tpu.enqueue_indirect_dma source(%dma_start3A_60 : memref<160000x128xf32, #tpu.memory_space<hbm>>) target(%arg13 : memref<80x128xf32, #tpu.memory_space<vmem>>) offsets(%arg9 : memref<80xi32, #tpu.memory_space<vmem>>) semaphore(%arg17 : memref<!tpu.dma_semaphore, #tpu.memory_space<semaphore_mem>>)
      "tpu.region"() ({
        %run_scoped3A = tpu.sem_alloc : memref<!tpu.dma_semaphore, #tpu.memory_space<semaphore_mem>>
        %dma_start3A_69 = arith.constant 0 : i32
        %dma_start3A_70 = arith.constant 0 : i32
        %dma_start3A_71 = tpu.memref_slice %arg15[%dma_start3A_69, %dma_start3A_70] : memref<10240x128xf32, #tpu.memory_space<vmem_shared>> -> memref<10240x128xf32, #tpu.memory_space<vmem_shared>>
        tpu.enqueue_indirect_dma source(%arg12 : memref<80x128xf32, #tpu.memory_space<vmem>>) target(%dma_start3A_71 : memref<10240x128xf32, #tpu.memory_space<vmem_shared>>) offsets(%arg10 : memref<80xi32, #tpu.memory_space<vmem>>) semaphore(%run_scoped3A : memref<!tpu.dma_semaphore, #tpu.memory_space<semaphore_mem>>) {add = true}
        %dma_wait3A_72 = arith.constant 0 : i32
        %dma_wait3A_73 = arith.constant 0 : i32
        %dma_wait3A_74 = tpu.memref_slice %arg15[%dma_wait3A_72, %dma_wait3A_73] : memref<10240x128xf32, #tpu.memory_space<vmem_shared>> -> memref<10240x128xf32, #tpu.memory_space<vmem_shared>>
        tpu.wait_indirect_dma semaphore(%run_scoped3A : memref<!tpu.dma_semaphore, #tpu.memory_space<semaphore_mem>>) src(%arg12 : memref<80x128xf32, #tpu.memory_space<vmem>>) dst(%dma_wait3A_74 : memref<10240x128xf32, #tpu.memory_space<vmem_shared>>)
        tpu.yield
      }) : () -> ()
      %lt3A = arith.constant 62 : i32
      %lt3A_61 = arith.cmpi slt, %scan3A_42, %lt3A : i32
      %convert_element_type3A = arith.extui %lt3A_61 : i1 to i32
      %cond3A = arith.constant 0 : i32
      %cond3A_62 = arith.cmpi ne, %convert_element_type3A, %cond3A : i32
      scf.if %cond3A_62 {
        %add3A_69 = arith.constant 2 : i32
        %add3A_70 = arith.addi %mul3A_44, %add3A_69 : i32
        %mul3A_71 = arith.constant 80 : i32
        %mul3A_72 = arith.muli %add3A_70, %mul3A_71 : i32
        %add3A_73 = arith.addi %mul3A_9, %mul3A_72 : i32
        "tpu.region"() ({
          %run_scoped3A = tpu.sem_alloc : memref<!tpu.dma_semaphore, #tpu.memory_space<semaphore_mem>>
          %dma_start3A_80 = tpu.memref_slice %arg3[%add3A_73] : memref<322560xi32, #tpu.memory_space<hbm>> -> memref<80xi32, #tpu.memory_space<hbm>>
          %dma_start3A_81 = tpu.memref_slice %arg3[%add3A_73] : memref<322560xi32, #tpu.memory_space<hbm>> -> memref<80xi32, #tpu.memory_space<hbm>>
          tpu.enqueue_dma source(%dma_start3A_81 : memref<80xi32, #tpu.memory_space<hbm>>) target(%arg8 : memref<80xi32, #tpu.memory_space<vmem>>) target_semaphore(%run_scoped3A : memref<!tpu.dma_semaphore, #tpu.memory_space<semaphore_mem>>)
          %dma_wait3A_82 = tpu.memref_slice %arg3[%add3A_73] : memref<322560xi32, #tpu.memory_space<hbm>> -> memref<80xi32, #tpu.memory_space<hbm>>
          %dma_wait3A_83 = tpu.memref_slice %arg3[%add3A_73] : memref<322560xi32, #tpu.memory_space<hbm>> -> memref<80xi32, #tpu.memory_space<hbm>>
          tpu.wait_dma2 semaphore(%run_scoped3A : memref<!tpu.dma_semaphore, #tpu.memory_space<semaphore_mem>>) src(%dma_wait3A_83 : memref<80xi32, #tpu.memory_space<hbm>>) dst(%arg8 : memref<80xi32, #tpu.memory_space<vmem>>)
          tpu.yield
        }) : () -> ()
        %mul3A_74 = arith.constant 80 : i32
        %mul3A_75 = arith.muli %add3A_70, %mul3A_74 : i32
        %add3A_76 = arith.addi %mul3A_9, %mul3A_75 : i32
        "tpu.region"() ({
          %run_scoped3A = tpu.sem_alloc : memref<!tpu.dma_semaphore, #tpu.memory_space<semaphore_mem>>
          %dma_start3A_80 = tpu.memref_slice %arg4[%add3A_76] : memref<322560xi32, #tpu.memory_space<hbm>> -> memref<80xi32, #tpu.memory_space<hbm>>
          %dma_start3A_81 = tpu.memref_slice %arg4[%add3A_76] : memref<322560xi32, #tpu.memory_space<hbm>> -> memref<80xi32, #tpu.memory_space<hbm>>
          tpu.enqueue_dma source(%dma_start3A_81 : memref<80xi32, #tpu.memory_space<hbm>>) target(%arg10 : memref<80xi32, #tpu.memory_space<vmem>>) target_semaphore(%run_scoped3A : memref<!tpu.dma_semaphore, #tpu.memory_space<semaphore_mem>>)
          %dma_wait3A_82 = tpu.memref_slice %arg4[%add3A_76] : memref<322560xi32, #tpu.memory_space<hbm>> -> memref<80xi32, #tpu.memory_space<hbm>>
          %dma_wait3A_83 = tpu.memref_slice %arg4[%add3A_76] : memref<322560xi32, #tpu.memory_space<hbm>> -> memref<80xi32, #tpu.memory_space<hbm>>
          tpu.wait_dma2 semaphore(%run_scoped3A : memref<!tpu.dma_semaphore, #tpu.memory_space<semaphore_mem>>) src(%dma_wait3A_83 : memref<80xi32, #tpu.memory_space<hbm>>) dst(%arg10 : memref<80xi32, #tpu.memory_space<vmem>>)
          tpu.yield
        }) : () -> ()
        %dma_start3A_77 = arith.constant 0 : i32
        %dma_start3A_78 = arith.constant 0 : i32
        %dma_start3A_79 = tpu.memref_slice %arg2[%dma_start3A_77, %dma_start3A_78] : memref<160000x128xf32, #tpu.memory_space<hbm>> -> memref<160000x128xf32, #tpu.memory_space<hbm>>
        tpu.enqueue_indirect_dma source(%dma_start3A_79 : memref<160000x128xf32, #tpu.memory_space<hbm>>) target(%arg12 : memref<80x128xf32, #tpu.memory_space<vmem>>) offsets(%arg8 : memref<80xi32, #tpu.memory_space<vmem>>) semaphore(%arg16 : memref<!tpu.dma_semaphore, #tpu.memory_space<semaphore_mem>>)
      } else {
      }
      %dma_wait3A_63 = arith.constant 0 : i32
      %dma_wait3A_64 = arith.constant 0 : i32
      %dma_wait3A_65 = tpu.memref_slice %arg2[%dma_wait3A_63, %dma_wait3A_64] : memref<160000x128xf32, #tpu.memory_space<hbm>> -> memref<80x128xf32, #tpu.memory_space<hbm>>
      %dma_wait3A_66 = arith.constant 0 : i32
      %dma_wait3A_67 = arith.constant 0 : i32
      %dma_wait3A_68 = tpu.memref_slice %arg2[%dma_wait3A_66, %dma_wait3A_67] : memref<160000x128xf32, #tpu.memory_space<hbm>> -> memref<80x128xf32, #tpu.memory_space<hbm>>
      tpu.wait_dma2 semaphore(%arg17 : memref<!tpu.dma_semaphore, #tpu.memory_space<semaphore_mem>>) src(%dma_wait3A_68 : memref<80x128xf32, #tpu.memory_space<hbm>>) dst(%arg13 : memref<80x128xf32, #tpu.memory_space<vmem>>)
      "tpu.region"() ({
        %run_scoped3A = tpu.sem_alloc : memref<!tpu.dma_semaphore, #tpu.memory_space<semaphore_mem>>
        %dma_start3A_69 = arith.constant 0 : i32
        %dma_start3A_70 = arith.constant 0 : i32
        %dma_start3A_71 = tpu.memref_slice %arg15[%dma_start3A_69, %dma_start3A_70] : memref<10240x128xf32, #tpu.memory_space<vmem_shared>> -> memref<10240x128xf32, #tpu.memory_space<vmem_shared>>
        tpu.enqueue_indirect_dma source(%arg13 : memref<80x128xf32, #tpu.memory_space<vmem>>) target(%dma_start3A_71 : memref<10240x128xf32, #tpu.memory_space<vmem_shared>>) offsets(%arg11 : memref<80xi32, #tpu.memory_space<vmem>>) semaphore(%run_scoped3A : memref<!tpu.dma_semaphore, #tpu.memory_space<semaphore_mem>>) {add = true}
        %dma_wait3A_72 = arith.constant 0 : i32
        %dma_wait3A_73 = arith.constant 0 : i32
        %dma_wait3A_74 = tpu.memref_slice %arg15[%dma_wait3A_72, %dma_wait3A_73] : memref<10240x128xf32, #tpu.memory_space<vmem_shared>> -> memref<10240x128xf32, #tpu.memory_space<vmem_shared>>
        tpu.wait_indirect_dma semaphore(%run_scoped3A : memref<!tpu.dma_semaphore, #tpu.memory_space<semaphore_mem>>) src(%arg13 : memref<80x128xf32, #tpu.memory_space<vmem>>) dst(%dma_wait3A_74 : memref<10240x128xf32, #tpu.memory_space<vmem_shared>>)
        tpu.yield
      }) : () -> ()
    }
    %scan3A_21 = arith.constant 63 : i32
    %barrier3A_22 = arith.constant 0 : index
    tpu.barrier barrier_id(%barrier3A_22)
    %mul3A_23 = arith.constant 640 : i32
    %mul3A_24 = arith.muli %arg1, %mul3A_23 : i32
    %mul3A_25 = arith.constant 640 : i32
    %mul3A_26 = arith.muli %arg1, %mul3A_25 : i32
    "tpu.region"() ({
      %run_scoped3A = tpu.sem_alloc : memref<!tpu.dma_semaphore, #tpu.memory_space<semaphore_mem>>
      %dma_start3A_42 = arith.constant 0 : i32
      %dma_start3A_43 = tpu.memref_slice %arg6[%arg0, %mul3A_26, %dma_start3A_42] : memref<2x10240x128xf32, #tpu.memory_space<hbm>> -> memref<1x640x128xf32, #tpu.memory_space<hbm>>
      %dma_start3A_44 = tpu.memref_squeeze %dma_start3A_43 : memref<1x640x128xf32, #tpu.memory_space<hbm>> -> memref<640x128xf32, #tpu.memory_space<hbm>>
      %dma_start3A_45 = arith.constant 0 : i32
      %dma_start3A_46 = tpu.memref_slice %arg15[%mul3A_24, %dma_start3A_45] : memref<10240x128xf32, #tpu.memory_space<vmem_shared>> -> memref<640x128xf32, #tpu.memory_space<vmem_shared>>
      tpu.enqueue_dma source(%dma_start3A_46 : memref<640x128xf32, #tpu.memory_space<vmem_shared>>) target(%dma_start3A_44 : memref<640x128xf32, #tpu.memory_space<hbm>>) target_semaphore(%run_scoped3A : memref<!tpu.dma_semaphore, #tpu.memory_space<semaphore_mem>>)
      %dma_wait3A = arith.constant 0 : i32
      %dma_wait3A_47 = tpu.memref_slice %arg6[%arg0, %mul3A_26, %dma_wait3A] : memref<2x10240x128xf32, #tpu.memory_space<hbm>> -> memref<1x640x128xf32, #tpu.memory_space<hbm>>
      %dma_wait3A_48 = tpu.memref_squeeze %dma_wait3A_47 : memref<1x640x128xf32, #tpu.memory_space<hbm>> -> memref<640x128xf32, #tpu.memory_space<hbm>>
      %dma_wait3A_49 = arith.constant 0 : i32
      %dma_wait3A_50 = tpu.memref_slice %arg15[%mul3A_24, %dma_wait3A_49] : memref<10240x128xf32, #tpu.memory_space<vmem_shared>> -> memref<640x128xf32, #tpu.memory_space<vmem_shared>>
      tpu.wait_dma2 semaphore(%run_scoped3A : memref<!tpu.dma_semaphore, #tpu.memory_space<semaphore_mem>>) src(%dma_wait3A_50 : memref<640x128xf32, #tpu.memory_space<vmem_shared>>) dst(%dma_wait3A_48 : memref<640x128xf32, #tpu.memory_space<hbm>>)
      tpu.yield
    }) : () -> ()
    %barrier3A_27 = arith.constant 0 : index
    tpu.barrier barrier_id(%barrier3A_27)
    %mul3A_28 = arith.constant 640 : i32
    %mul3A_29 = arith.muli %arg1, %mul3A_28 : i32
    "tpu.region"() ({
      %run_scoped3A = tpu.sem_alloc : memref<!tpu.dma_semaphore, #tpu.memory_space<semaphore_mem>>
      %dma_start3A_42 = arith.constant 0 : i32
      %dma_start3A_43 = tpu.memref_slice %arg15[%mul3A_29, %dma_start3A_42] : memref<10240x128xf32, #tpu.memory_space<vmem_shared>> -> memref<640x128xf32, #tpu.memory_space<vmem_shared>>
      tpu.enqueue_dma source(%arg5 : memref<640x128xf32, #tpu.memory_space<hbm>>) target(%dma_start3A_43 : memref<640x128xf32, #tpu.memory_space<vmem_shared>>) target_semaphore(%run_scoped3A : memref<!tpu.dma_semaphore, #tpu.memory_space<semaphore_mem>>)
      %dma_wait3A = arith.constant 0 : i32
      %dma_wait3A_44 = tpu.memref_slice %arg15[%mul3A_29, %dma_wait3A] : memref<10240x128xf32, #tpu.memory_space<vmem_shared>> -> memref<640x128xf32, #tpu.memory_space<vmem_shared>>
      tpu.wait_dma2 semaphore(%run_scoped3A : memref<!tpu.dma_semaphore, #tpu.memory_space<semaphore_mem>>) src(%arg5 : memref<640x128xf32, #tpu.memory_space<hbm>>) dst(%dma_wait3A_44 : memref<640x128xf32, #tpu.memory_space<vmem_shared>>)
      tpu.yield
    }) : () -> ()
    %barrier3A_30 = arith.constant 0 : index
    tpu.barrier barrier_id(%barrier3A_30)
    %scan3A_31 = arith.constant 0 : i32
    %scan3A_32 = arith.constant 0 : i32
    %scan3A_33 = arith.constant 126 : i32
    %scan3A_34 = arith.addi %scan3A_32, %scan3A_33 : i32
    %scan3A_35 = arith.constant 1 : i32
    scf.for %scan3A_42 = %scan3A_32 to %scan3A_34 step %scan3A_35  : i32 {
      %mul3A_43 = arith.constant 80 : i32
      %mul3A_44 = arith.muli %scan3A_42, %mul3A_43 : i32
      %add3A_45 = arith.addi %mul3A_9, %mul3A_44 : i32
      "tpu.region"() ({
        %run_scoped3A = tpu.sem_alloc : memref<!tpu.dma_semaphore, #tpu.memory_space<semaphore_mem>>
        %dma_start3A_46 = tpu.memref_slice %arg4[%add3A_45] : memref<322560xi32, #tpu.memory_space<hbm>> -> memref<80xi32, #tpu.memory_space<hbm>>
        %dma_start3A_47 = tpu.memref_slice %arg4[%add3A_45] : memref<322560xi32, #tpu.memory_space<hbm>> -> memref<80xi32, #tpu.memory_space<hbm>>
        tpu.enqueue_dma source(%dma_start3A_47 : memref<80xi32, #tpu.memory_space<hbm>>) target(%arg10 : memref<80xi32, #tpu.memory_space<vmem>>) target_semaphore(%run_scoped3A : memref<!tpu.dma_semaphore, #tpu.memory_space<semaphore_mem>>)
        %dma_wait3A = tpu.memref_slice %arg4[%add3A_45] : memref<322560xi32, #tpu.memory_space<hbm>> -> memref<80xi32, #tpu.memory_space<hbm>>
        %dma_wait3A_48 = tpu.memref_slice %arg4[%add3A_45] : memref<322560xi32, #tpu.memory_space<hbm>> -> memref<80xi32, #tpu.memory_space<hbm>>
        tpu.wait_dma2 semaphore(%run_scoped3A : memref<!tpu.dma_semaphore, #tpu.memory_space<semaphore_mem>>) src(%dma_wait3A_48 : memref<80xi32, #tpu.memory_space<hbm>>) dst(%arg10 : memref<80xi32, #tpu.memory_space<vmem>>)
        tpu.yield
      }) : () -> ()
      "tpu.region"() ({
        %run_scoped3A = tpu.sem_alloc : memref<!tpu.dma_semaphore, #tpu.memory_space<semaphore_mem>>
        %dma_start3A_46 = arith.constant 0 : i32
        %dma_start3A_47 = arith.constant 0 : i32
        %dma_start3A_48 = tpu.memref_slice %arg15[%dma_start3A_46, %dma_start3A_47] : memref<10240x128xf32, #tpu.memory_space<vmem_shared>> -> memref<10240x128xf32, #tpu.memory_space<vmem_shared>>
        tpu.enqueue_indirect_dma source(%arg14 : memref<80x128xf32, #tpu.memory_space<vmem>>) target(%dma_start3A_48 : memref<10240x128xf32, #tpu.memory_space<vmem_shared>>) offsets(%arg10 : memref<80xi32, #tpu.memory_space<vmem>>) semaphore(%run_scoped3A : memref<!tpu.dma_semaphore, #tpu.memory_space<semaphore_mem>>) {add = true}
        %dma_wait3A = arith.constant 0 : i32
        %dma_wait3A_49 = arith.constant 0 : i32
        %dma_wait3A_50 = tpu.memref_slice %arg15[%dma_wait3A, %dma_wait3A_49] : memref<10240x128xf32, #tpu.memory_space<vmem_shared>> -> memref<10240x128xf32, #tpu.memory_space<vmem_shared>>
        tpu.wait_indirect_dma semaphore(%run_scoped3A : memref<!tpu.dma_semaphore, #tpu.memory_space<semaphore_mem>>) src(%arg14 : memref<80x128xf32, #tpu.memory_space<vmem>>) dst(%dma_wait3A_50 : memref<10240x128xf32, #tpu.memory_space<vmem_shared>>)
        tpu.yield
      }) : () -> ()
    }
    %scan3A_36 = arith.constant 126 : i32
    %barrier3A_37 = arith.constant 0 : index
    tpu.barrier barrier_id(%barrier3A_37)
    %mul3A_38 = arith.constant 640 : i32
    %mul3A_39 = arith.muli %arg1, %mul3A_38 : i32
    %mul3A_40 = arith.constant 640 : i32
    %mul3A_41 = arith.muli %arg1, %mul3A_40 : i32
    "tpu.region"() ({
      %run_scoped3A = tpu.sem_alloc : memref<!tpu.dma_semaphore, #tpu.memory_space<semaphore_mem>>
      %dma_start3A_42 = arith.constant 0 : i32
      %dma_start3A_43 = tpu.memref_slice %arg7[%arg0, %mul3A_41, %dma_start3A_42] : memref<2x10240x128xf32, #tpu.memory_space<hbm>> -> memref<1x640x128xf32, #tpu.memory_space<hbm>>
      %dma_start3A_44 = tpu.memref_squeeze %dma_start3A_43 : memref<1x640x128xf32, #tpu.memory_space<hbm>> -> memref<640x128xf32, #tpu.memory_space<hbm>>
      %dma_start3A_45 = arith.constant 0 : i32
      %dma_start3A_46 = tpu.memref_slice %arg15[%mul3A_39, %dma_start3A_45] : memref<10240x128xf32, #tpu.memory_space<vmem_shared>> -> memref<640x128xf32, #tpu.memory_space<vmem_shared>>
      tpu.enqueue_dma source(%dma_start3A_46 : memref<640x128xf32, #tpu.memory_space<vmem_shared>>) target(%dma_start3A_44 : memref<640x128xf32, #tpu.memory_space<hbm>>) target_semaphore(%run_scoped3A : memref<!tpu.dma_semaphore, #tpu.memory_space<semaphore_mem>>)
      %dma_wait3A = arith.constant 0 : i32
      %dma_wait3A_47 = tpu.memref_slice %arg7[%arg0, %mul3A_41, %dma_wait3A] : memref<2x10240x128xf32, #tpu.memory_space<hbm>> -> memref<1x640x128xf32, #tpu.memory_space<hbm>>
      %dma_wait3A_48 = tpu.memref_squeeze %dma_wait3A_47 : memref<1x640x128xf32, #tpu.memory_space<hbm>> -> memref<640x128xf32, #tpu.memory_space<hbm>>
      %dma_wait3A_49 = arith.constant 0 : i32
      %dma_wait3A_50 = tpu.memref_slice %arg15[%mul3A_39, %dma_wait3A_49] : memref<10240x128xf32, #tpu.memory_space<vmem_shared>> -> memref<640x128xf32, #tpu.memory_space<vmem_shared>>
      tpu.wait_dma2 semaphore(%run_scoped3A : memref<!tpu.dma_semaphore, #tpu.memory_space<semaphore_mem>>) src(%dma_wait3A_50 : memref<640x128xf32, #tpu.memory_space<vmem_shared>>) dst(%dma_wait3A_48 : memref<640x128xf32, #tpu.memory_space<hbm>>)
      tpu.yield
    }) : () -> ()
    return
  }
}

module attributes {stable_mosaic.version = 14 : i64} {
  func.func @_proj_body(%arg0: i32, %arg1: memref<16x8xf32, #tpu.memory_space<smem>>, %arg2: memref<8x128x128xf32, #tpu.memory_space<vmem>>, %arg3: memref<10000x128xf32, #tpu.memory_space<vmem>>, %arg4: memref<1x10000x128xf32, #tpu.memory_space<vmem>>) attributes {dimension_semantics = [#tpu.dimension_semantics<arbitrary>], iteration_bounds = array<i64: 16>, scalar_prefetch = 0 : i64, scratch_operands = 0 : i64, tpu.core_type = #tpu.core_type<tc>, window_params = [{transform_indices = @transform_0, window_bounds = array<i64: 16, 8>}, {pipeline_mode = #tpu.pipeline_mode<synchronous>, transform_indices = @transform_1, window_bounds = array<i64: 8, 128, 128>}, {pipeline_mode = #tpu.pipeline_mode<synchronous>, transform_indices = @transform_2, window_bounds = array<i64: 10000, 128>}, {transform_indices = @transform_3, window_bounds = array<i64: 1, 10000, 128>}]} {
    %get3A = arith.index_cast %arg0 : i32 to index
    %get3A_0 = arith.constant 0 : index
    %get3A_1 = memref.load %arg1[%get3A, %get3A_0] : memref<16x8xf32, #tpu.memory_space<smem>>
    %get3A_2 = arith.constant 0 : index
    %get3A_3 = arith.constant 0 : index
    %get3A_4 = arith.constant 0 : index
    %get3A_5 = vector.load %arg2[%get3A_2, %get3A_3, %get3A_4] : memref<8x128x128xf32, #tpu.memory_space<vmem>>, vector<1x128x128xf32>
    %get3A_6 = vector.shape_cast %get3A_5 : vector<1x128x128xf32> to vector<128x128xf32>
    %mul3A = vector.broadcast %get3A_1 : f32 to vector<128x128xf32>
    %mul3A_7 = arith.mulf %mul3A, %get3A_6 : vector<128x128xf32>
    %get3A_8 = arith.index_cast %arg0 : i32 to index
    %get3A_9 = arith.constant 1 : index
    %get3A_10 = memref.load %arg1[%get3A_8, %get3A_9] : memref<16x8xf32, #tpu.memory_space<smem>>
    %get3A_11 = arith.constant 1 : index
    %get3A_12 = arith.constant 0 : index
    %get3A_13 = arith.constant 0 : index
    %get3A_14 = vector.load %arg2[%get3A_11, %get3A_12, %get3A_13] : memref<8x128x128xf32, #tpu.memory_space<vmem>>, vector<1x128x128xf32>
    %get3A_15 = vector.shape_cast %get3A_14 : vector<1x128x128xf32> to vector<128x128xf32>
    %mul3A_16 = vector.broadcast %get3A_10 : f32 to vector<128x128xf32>
    %mul3A_17 = arith.mulf %mul3A_16, %get3A_15 : vector<128x128xf32>
    %add3A = arith.addf %mul3A_7, %mul3A_17 : vector<128x128xf32>
    %get3A_18 = arith.index_cast %arg0 : i32 to index
    %get3A_19 = arith.constant 2 : index
    %get3A_20 = memref.load %arg1[%get3A_18, %get3A_19] : memref<16x8xf32, #tpu.memory_space<smem>>
    %get3A_21 = arith.constant 2 : index
    %get3A_22 = arith.constant 0 : index
    %get3A_23 = arith.constant 0 : index
    %get3A_24 = vector.load %arg2[%get3A_21, %get3A_22, %get3A_23] : memref<8x128x128xf32, #tpu.memory_space<vmem>>, vector<1x128x128xf32>
    %get3A_25 = vector.shape_cast %get3A_24 : vector<1x128x128xf32> to vector<128x128xf32>
    %mul3A_26 = vector.broadcast %get3A_20 : f32 to vector<128x128xf32>
    %mul3A_27 = arith.mulf %mul3A_26, %get3A_25 : vector<128x128xf32>
    %add3A_28 = arith.addf %add3A, %mul3A_27 : vector<128x128xf32>
    %get3A_29 = arith.index_cast %arg0 : i32 to index
    %get3A_30 = arith.constant 3 : index
    %get3A_31 = memref.load %arg1[%get3A_29, %get3A_30] : memref<16x8xf32, #tpu.memory_space<smem>>
    %get3A_32 = arith.constant 3 : index
    %get3A_33 = arith.constant 0 : index
    %get3A_34 = arith.constant 0 : index
    %get3A_35 = vector.load %arg2[%get3A_32, %get3A_33, %get3A_34] : memref<8x128x128xf32, #tpu.memory_space<vmem>>, vector<1x128x128xf32>
    %get3A_36 = vector.shape_cast %get3A_35 : vector<1x128x128xf32> to vector<128x128xf32>
    %mul3A_37 = vector.broadcast %get3A_31 : f32 to vector<128x128xf32>
    %mul3A_38 = arith.mulf %mul3A_37, %get3A_36 : vector<128x128xf32>
    %add3A_39 = arith.addf %add3A_28, %mul3A_38 : vector<128x128xf32>
    %get3A_40 = arith.index_cast %arg0 : i32 to index
    %get3A_41 = arith.constant 4 : index
    %get3A_42 = memref.load %arg1[%get3A_40, %get3A_41] : memref<16x8xf32, #tpu.memory_space<smem>>
    %get3A_43 = arith.constant 4 : index
    %get3A_44 = arith.constant 0 : index
    %get3A_45 = arith.constant 0 : index
    %get3A_46 = vector.load %arg2[%get3A_43, %get3A_44, %get3A_45] : memref<8x128x128xf32, #tpu.memory_space<vmem>>, vector<1x128x128xf32>
    %get3A_47 = vector.shape_cast %get3A_46 : vector<1x128x128xf32> to vector<128x128xf32>
    %mul3A_48 = vector.broadcast %get3A_42 : f32 to vector<128x128xf32>
    %mul3A_49 = arith.mulf %mul3A_48, %get3A_47 : vector<128x128xf32>
    %add3A_50 = arith.addf %add3A_39, %mul3A_49 : vector<128x128xf32>
    %get3A_51 = arith.index_cast %arg0 : i32 to index
    %get3A_52 = arith.constant 5 : index
    %get3A_53 = memref.load %arg1[%get3A_51, %get3A_52] : memref<16x8xf32, #tpu.memory_space<smem>>
    %get3A_54 = arith.constant 5 : index
    %get3A_55 = arith.constant 0 : index
    %get3A_56 = arith.constant 0 : index
    %get3A_57 = vector.load %arg2[%get3A_54, %get3A_55, %get3A_56] : memref<8x128x128xf32, #tpu.memory_space<vmem>>, vector<1x128x128xf32>
    %get3A_58 = vector.shape_cast %get3A_57 : vector<1x128x128xf32> to vector<128x128xf32>
    %mul3A_59 = vector.broadcast %get3A_53 : f32 to vector<128x128xf32>
    %mul3A_60 = arith.mulf %mul3A_59, %get3A_58 : vector<128x128xf32>
    %add3A_61 = arith.addf %add3A_50, %mul3A_60 : vector<128x128xf32>
    %get3A_62 = arith.index_cast %arg0 : i32 to index
    %get3A_63 = arith.constant 6 : index
    %get3A_64 = memref.load %arg1[%get3A_62, %get3A_63] : memref<16x8xf32, #tpu.memory_space<smem>>
    %get3A_65 = arith.constant 6 : index
    %get3A_66 = arith.constant 0 : index
    %get3A_67 = arith.constant 0 : index
    %get3A_68 = vector.load %arg2[%get3A_65, %get3A_66, %get3A_67] : memref<8x128x128xf32, #tpu.memory_space<vmem>>, vector<1x128x128xf32>
    %get3A_69 = vector.shape_cast %get3A_68 : vector<1x128x128xf32> to vector<128x128xf32>
    %mul3A_70 = vector.broadcast %get3A_64 : f32 to vector<128x128xf32>
    %mul3A_71 = arith.mulf %mul3A_70, %get3A_69 : vector<128x128xf32>
    %add3A_72 = arith.addf %add3A_61, %mul3A_71 : vector<128x128xf32>
    %get3A_73 = arith.index_cast %arg0 : i32 to index
    %get3A_74 = arith.constant 7 : index
    %get3A_75 = memref.load %arg1[%get3A_73, %get3A_74] : memref<16x8xf32, #tpu.memory_space<smem>>
    %get3A_76 = arith.constant 7 : index
    %get3A_77 = arith.constant 0 : index
    %get3A_78 = arith.constant 0 : index
    %get3A_79 = vector.load %arg2[%get3A_76, %get3A_77, %get3A_78] : memref<8x128x128xf32, #tpu.memory_space<vmem>>, vector<1x128x128xf32>
    %get3A_80 = vector.shape_cast %get3A_79 : vector<1x128x128xf32> to vector<128x128xf32>
    %mul3A_81 = vector.broadcast %get3A_75 : f32 to vector<128x128xf32>
    %mul3A_82 = arith.mulf %mul3A_81, %get3A_80 : vector<128x128xf32>
    %add3A_83 = arith.addf %add3A_72, %mul3A_82 : vector<128x128xf32>
    %get3A_84 = arith.constant 0 : index
    %get3A_85 = arith.constant 0 : index
    %get3A_86 = vector.load %arg3[%get3A_84, %get3A_85] : memref<10000x128xf32, #tpu.memory_space<vmem>>, vector<10000x128xf32>
    %dot_general3A = arith.constant dense<0.000000e+00> : vector<10000x128xf32>
    %dot_general3A_87 = tpu.matmul %get3A_86, %add3A_83, %dot_general3A {dimension_numbers = #tpu.dot_dimension_numbers<[1], [0], [0], [1], [0, 0, 1, 1], [], []>, transpose_lhs_hint = false} : vector<10000x128xf32>, vector<128x128xf32>, vector<10000x128xf32> -> vector<10000x128xf32>
    %swap3A = arith.constant 0 : index
    %swap3A_88 = arith.constant 0 : index
    %swap3A_89 = arith.constant 0 : index
    %swap3A_90 = vector.load %arg4[%swap3A, %swap3A_88, %swap3A_89] : memref<1x10000x128xf32, #tpu.memory_space<vmem>>, vector<1x10000x128xf32>
    %swap3A_91 = vector.shape_cast %swap3A_90 : vector<1x10000x128xf32> to vector<10000x128xf32>
    %swap3A_92 = vector.shape_cast %dot_general3A_87 : vector<10000x128xf32> to vector<1x10000x128xf32>
    tpu.vector_store %arg4[%swap3A, %swap3A_88, %swap3A_89], %swap3A_92 {strides = array<i32>} : memref<1x10000x128xf32, #tpu.memory_space<vmem>>, vector<1x10000x128xf32>,
    return
  }
  func.func @transform_0(%arg0: i32) -> (i32, i32) {
    %c0_i32 = arith.constant 0 : i32
    %c0_i32_0 = arith.constant 0 : i32
    %c0_i32_1 = arith.constant 0 : i32
    return %c0_i32, %c0_i32_0 : i32, i32
  }
  func.func @transform_1(%arg0: i32) -> (i32, i32, i32) {
    %c0_i32 = arith.constant 0 : i32
    %c0_i32_0 = arith.constant 0 : i32
    %c0_i32_1 = arith.constant 0 : i32
    %c0_i32_2 = arith.constant 0 : i32
    return %c0_i32, %c0_i32_0, %c0_i32_1 : i32, i32, i32
  }
  func.func @transform_2(%arg0: i32) -> (i32, i32) {
    %c0_i32 = arith.constant 0 : i32
    %c0_i32_0 = arith.constant 0 : i32
    %c0_i32_1 = arith.constant 0 : i32
    return %c0_i32, %c0_i32_0 : i32, i32
  }
  func.func @transform_3(%arg0: i32) -> (i32, i32, i32) {
    %c0_i32 = arith.constant 0 : i32
    %c0_i32_0 = arith.constant 0 : i32
    %c0_i32_1 = arith.constant 0 : i32
    return %arg0, %c0_i32, %c0_i32_0 : i32, i32, i32
  }
}

module attributes {stable_mosaic.version = 14 : i64} {
  func.func @_combine_body(%arg0: memref<2x10240x128xf32, #tpu.memory_space<vmem>>, %arg1: memref<2x10240x128xf32, #tpu.memory_space<vmem>>, %arg2: memref<10000x128xf32, #tpu.memory_space<vmem>>, %arg3: memref<128x128xf32, #tpu.memory_space<vmem>>, %arg4: memref<10000x128xf32, #tpu.memory_space<vmem>>) attributes {dimension_semantics = [], scalar_prefetch = 0 : i64, scratch_operands = 0 : i64, tpu.core_type = #tpu.core_type<tc>} {
    %get3A = arith.constant 0 : index
    %get3A_0 = arith.constant 0 : index
    %get3A_1 = arith.constant 0 : index
    %get3A_2 = vector.load %arg1[%get3A, %get3A_0, %get3A_1] : memref<2x10240x128xf32, #tpu.memory_space<vmem>>, vector<1x10000x128xf32>
    %get3A_3 = vector.shape_cast %get3A_2 : vector<1x10000x128xf32> to vector<10000x128xf32>
    %get3A_4 = arith.constant 1 : index
    %get3A_5 = arith.constant 0 : index
    %get3A_6 = arith.constant 0 : index
    %get3A_7 = vector.load %arg1[%get3A_4, %get3A_5, %get3A_6] : memref<2x10240x128xf32, #tpu.memory_space<vmem>>, vector<1x10000x128xf32>
    %get3A_8 = vector.shape_cast %get3A_7 : vector<1x10000x128xf32> to vector<10000x128xf32>
    %add3A = arith.addf %get3A_3, %get3A_8 : vector<10000x128xf32>
    %add3A_9 = arith.constant 1.000000e+00 : f32
    %add3A_10 = vector.broadcast %add3A_9 : f32 to vector<10000x128xf32>
    %add3A_11 = arith.addf %add3A, %add3A_10 : vector<10000x128xf32>
    %log3A = math.log %add3A_11 : vector<10000x128xf32>
    %reduce_sum3A = vector.shape_cast %log3A : vector<10000x128xf32> to vector<1x10000x128xf32>
    %reduce_sum3A_12 = arith.constant dense<0.000000e+00> : vector<1xf32>
    %reduce_sum3A_13 = vector.multi_reduction <add>, %reduce_sum3A, %reduce_sum3A_12 [1, 2] : vector<1x10000x128xf32> to vector<1xf32>
    %reduce_sum3A_14 = vector.shape_cast %reduce_sum3A_13 : vector<1xf32> to vector<1x1x1xf32>
    %reduce_sum3A_15 = vector.extract %reduce_sum3A_14[0, 0, 0] : f32 from vector<1x1x1xf32>
    %mul3A = arith.constant 7.812500e-07 : f32
    %mul3A_16 = arith.mulf %reduce_sum3A_15, %mul3A : f32
    %div3A = arith.constant 1.000000e+00 : f32
    %div3A_17 = arith.divf %div3A, %mul3A_16 : f32
    %mul3A_18 = vector.broadcast %div3A_17 : f32 to vector<10000x128xf32>
    %mul3A_19 = arith.mulf %log3A, %mul3A_18 : vector<10000x128xf32>
    %get3A_20 = arith.constant 0 : index
    %get3A_21 = arith.constant 0 : index
    %get3A_22 = arith.constant 0 : index
    %get3A_23 = vector.load %arg0[%get3A_20, %get3A_21, %get3A_22] : memref<2x10240x128xf32, #tpu.memory_space<vmem>>, vector<1x10000x128xf32>
    %get3A_24 = vector.shape_cast %get3A_23 : vector<1x10000x128xf32> to vector<10000x128xf32>
    %get3A_25 = arith.constant 1 : index
    %get3A_26 = arith.constant 0 : index
    %get3A_27 = arith.constant 0 : index
    %get3A_28 = vector.load %arg0[%get3A_25, %get3A_26, %get3A_27] : memref<2x10240x128xf32, #tpu.memory_space<vmem>>, vector<1x10000x128xf32>
    %get3A_29 = vector.shape_cast %get3A_28 : vector<1x10000x128xf32> to vector<10000x128xf32>
    %add3A_30 = arith.addf %get3A_24, %get3A_29 : vector<10000x128xf32>
    %get3A_31 = arith.constant 0 : index
    %get3A_32 = arith.constant 0 : index
    %get3A_33 = vector.load %arg2[%get3A_31, %get3A_32] : memref<10000x128xf32, #tpu.memory_space<vmem>>, vector<10000x128xf32>
    %get3A_34 = arith.constant 0 : index
    %get3A_35 = arith.constant 0 : index
    %get3A_36 = vector.load %arg3[%get3A_34, %get3A_35] : memref<128x128xf32, #tpu.memory_space<vmem>>, vector<128x128xf32>
    %dot_general3A = arith.constant dense<0.000000e+00> : vector<10000x128xf32>
    %dot_general3A_37 = tpu.matmul %get3A_33, %get3A_36, %dot_general3A {dimension_numbers = #tpu.dot_dimension_numbers<[1], [0], [0], [1], [0, 0, 1, 1], [], []>, transpose_lhs_hint = false} : vector<10000x128xf32>, vector<128x128xf32>, vector<10000x128xf32> -> vector<10000x128xf32>
    %mul3A_38 = arith.mulf %add3A_30, %mul3A_19 : vector<10000x128xf32>
    %add3A_39 = arith.addf %dot_general3A_37, %mul3A_38 : vector<10000x128xf32>
    %swap3A = arith.constant 0 : index
    %swap3A_40 = arith.constant 0 : index
    %swap3A_41 = vector.load %arg4[%swap3A, %swap3A_40] : memref<10000x128xf32, #tpu.memory_space<vmem>>, vector<10000x128xf32>
    tpu.vector_store %arg4[%swap3A, %swap3A_40], %add3A_39 {strides = array<i32>} : memref<10000x128xf32, #tpu.memory_space<vmem>>, vector<10000x128xf32>,
    return
  }
}

</mosaic_0001>

<sc_bundles>
// kernel: kernel.5.cloned.1.call-start
scs
__scs_entry_jumppad:
0x0: {  	(pc) =	sbr.rel $0x88, $3  }
0x1: {  	(tag) =	ssettag $0x0;
	lr =	simm.s32 $0x1  }
0x2: {  	[smem:$0x3F9B] =	sst lr;
	_ =	strace $0xD0000000  }
0x3: {  	_ = 	snop  }
0x4: {  	_ = 	snop  }
0x5: {  	_ = 	snop  }
0x6: {  	_ = 	snop  }
0x7: {  	_ = 	snop  }
__scs_overlays_trampoline_lowered:
0x8: {  	[smem:$0x3FAA] =	sst s0  }
0x9: {  	[smem:$0x3FAB] =	sst s1  }
0xa: {  	[smem:$0x3FAC] =	sst s2  }
0xb: {  	[smem:$0x3FAD] =	sst s3  }
0xc: {  	[smem:$0x3FAE] =	sst s4  }
0xd: {  	[smem:$0x3FAF] =	sst s5  }
0xe: {  	[smem:$0x3FB0] =	sst s6  }
0xf: {  	[smem:$0x3FB1] =	sst s7  }
0x10: {  	[smem:$0x3FB2] =	sst s8  }
0x11: {  	[smem:$0x3FB3] =	sst s9;
	s0 =	simm.s32 @!p0 $0x0  }
0x12: {  	s1 =	sld [smem:$0x3F99];
	s0 =	simm.s32 @p0 $0x1  }
0x13: {  	[smem:$0x3FB4] =	sst s0;
	s0 =	simm.s32 @!p1 $0x0  }
0x14: {  	s2 =	sld [smem:$0x3F98];
	s0 =	simm.s32 @p1 $0x1  }
0x15: {  	[smem:$0x3FB5] =	sst s0;
	s0 =	simm.s32 @!p2 $0x0  }
0x16: {  	s3 =	sld [smem:$0x3FDB];
	s0 =	simm.s32 @p2 $0x1  }
0x17: {  	s4 =	simm.s32 $0x1BF5;
	[smem:$0x3FB7] =	sst s0  }
0x18: {  	s0 =	sld [smem:$0x3F9A];
	_ =	swait.ge [sflag:s4], $0x0  }
0x19: {  	s7 =	sld [smem:$0x3F9B]  }
0x1a: {  	s8 =	sadd.s32 $0xFFFFE003, lr  }
0x1b: {  	s9 =	sadd.s32 $0xFFFFFEF7, lr;
	s5 =	simm.s32 $0xFFFFFFFF;
	p2 =	slt.u32 s8, $0xFFFFF086  }
0x1c: {  	p1 =	slt.u32 s9, $0xF7A;
	s5 =	simm.s32 @!p2 $0x0  }
0x1d: {  	s5 =	simm.s32 @p1 $0x1;
	p0 =	seq.s32 s7, s2  }
0x1e: {  	s7 =	smul.u32 @!p0 $0xF7A, s2;
	p2 =	seq.s32 @!p0 s5, $0x0  }
0x1f: {  	s9 =	smul.u32 $0xF7A, s1;
	s8 =	simm.s32 @!p0 $0x1BF5;
	p2 =	por !p2, p0  }
0x20: {  	[sflag:s8] =	ssyncset.s32 @!p0 $0xFFFFF086;
	s6 =	sadd.s32 @!p0 s3, s7;
	s7 =	simm.s32 @!p0 $0x108  }
0x21: {  	s3 =	sadd.s32 s3, s9;
	s6 =	sadd.s32 @!p0 $0x88, s6;
	s7 =	simm.s32 @p2 $0x1082  }
0x22: {  	[simem:s7], [sflag:s8] =	dma.local @!p0 [hbm:s6], $0xF7A  }
0x23: {  	s9 =	sor.u32 $0xD0000000, s2;
	s6 =	simm.s32 $0x108;
	_ =	swait.ge @!p0 [sflag:s8], $0x0  }
0x24: {  	s3 =	sadd.s32 $0x88, s3;
	s6 =	simm.s32 @!p1 $0x1082;
	[sflag:s4] =	ssyncset.s32 $0xFFFFF086  }
0x25: {  	[simem:s6], [sflag:s4] =	dma.local [hbm:s3], $0xF7A  }
0x26: {  	[smem:$0x3F9B] =	sst s1;
	(tag) =	ssettag s2;
	_ =	strace s9  }
0x27: {  	s1 =	sld [smem:$0x3FAB]  }
0x28: {  	s2 =	sld [smem:$0x3FAC]  }
0x29: {  	s4 =	sld [smem:$0x3FAE]  }
0x2a: {  	p0 =	seq.s32 s5, $0x0;
	s5 =	sld [smem:$0x3FAF]  }
0x2b: {  	s6 =	sld [smem:$0x3FB0]  }
0x2c: {  	s7 =	sld [smem:$0x3FB1]  }
0x2d: {  	s3 =	simm.s32 $0x108;
	s8 =	sld [smem:$0x3FB2]  }
0x2e: {  	s3 =	simm.s32 @!p0 $0x1082;
	s9 =	sld [smem:$0x3FB3]  }
0x2f: {  	lr =	sadd.s32 s0, s3;
	s0 =	sld [smem:$0x3FAA]  }
0x30: {  	s3 =	sld [smem:$0x3FAD]  }
0x31: {  	[smem:$0x3FB6] =	sst s10  }
0x32: {  	s10 =	sld [smem:$0x3FB4];
	_ =	sdelay $0x3  }
0x33: {  	p0 =	seq.s32 s10, $0x1;
	s10 =	sld [smem:$0x3FB6];
	_ =	sdelay $0x3  }
0x34: {  	[smem:$0x3FB6] =	sst s10  }
0x35: {  	s10 =	sld [smem:$0x3FB5];
	_ =	sdelay $0x3  }
0x36: {  	p1 =	seq.s32 s10, $0x1;
	s10 =	sld [smem:$0x3FB6];
	_ =	sdelay $0x3  }
0x37: {  	[smem:$0x3FB6] =	sst s10  }
0x38: {  	s10 =	sld [smem:$0x3FB7]  }
0x39: {  	_ = 	snop;
	(pc) =	sbr.ind lr, $3  }
0x3a: {  	_ = 	snop  }
0x3b: {  	_ = 	snop  }
0x3c: {  	p2 =	seq.s32 s10, $0x1;
	s10 =	sld [smem:$0x3FB6]  }
0x3d: {  	_ =	shalt  }
0x3e: {  	_ =	shalt  }
0x3f: {  	_ =	shalt  }
0x40: {  	_ =	shalt  }
0x41: {  	_ =	shalt  }
0x42: {  	_ =	shalt  }
0x43: {  	_ =	shalt  }
0x44: {  	_ =	shalt  }
0x45: {  	_ =	shalt  }
0x46: {  	_ =	shalt  }
0x47: {  	_ =	shalt  }
0x48: {  	_ =	shalt  }
0x49: {  	_ =	shalt  }
0x4a: {  	_ =	shalt  }
0x4b: {  	_ =	shalt  }
0x4c: {  	_ =	shalt  }
0x4d: {  	_ =	shalt  }
0x4e: {  	_ =	shalt  }
0x4f: {  	_ =	shalt  }
0x50: {  	_ =	shalt  }
0x51: {  	_ =	shalt  }
0x52: {  	_ =	shalt  }
0x53: {  	_ =	shalt  }
0x54: {  	_ =	shalt  }
0x55: {  	_ =	shalt  }
0x56: {  	_ =	shalt  }
0x57: {  	_ =	shalt  }
0x58: {  	_ =	shalt  }
0x59: {  	_ =	shalt  }
0x5a: {  	_ =	shalt  }
0x5b: {  	_ =	shalt  }
0x5c: {  	_ =	shalt  }
0x5d: {  	_ =	shalt  }
0x5e: {  	_ =	shalt  }
0x5f: {  	_ =	shalt  }
0x60: {  	_ =	shalt  }
0x61: {  	_ =	shalt  }
0x62: {  	_ =	shalt  }
0x63: {  	_ =	shalt  }
0x64: {  	_ =	shalt  }
0x65: {  	_ =	shalt  }
0x66: {  	_ =	shalt  }
0x67: {  	_ =	shalt  }
0x68: {  	_ =	shalt  }
0x69: {  	_ =	shalt  }
0x6a: {  	_ =	shalt  }
0x6b: {  	_ =	shalt  }
0x6c: {  	_ =	shalt  }
0x6d: {  	_ =	shalt  }
0x6e: {  	_ =	shalt  }
0x6f: {  	_ =	shalt  }
0x70: {  	_ =	shalt  }
0x71: {  	_ =	shalt  }
0x72: {  	_ =	shalt  }
0x73: {  	_ =	shalt  }
0x74: {  	_ =	shalt  }
0x75: {  	_ =	shalt  }
0x76: {  	_ =	shalt  }
0x77: {  	_ =	shalt  }
0x78: {  	_ =	shalt  }
0x79: {  	_ =	shalt  }
0x7a: {  	_ =	shalt  }
0x7b: {  	_ =	shalt  }
0x7c: {  	_ =	shalt  }
0x7d: {  	_ =	shalt  }
0x7e: {  	_ =	shalt  }
0x7f: {  	_ =	shalt  }
0x80: {  	_ =	shalt  }
0x81: {  	_ =	shalt  }
0x82: {  	_ =	shalt  }
0x83: {  	_ =	shalt  }
0x84: {  	_ =	shalt  }
0x85: {  	_ =	shalt  }
0x86: {  	_ =	shalt  }
0x87: {  	_ =	shalt  }
.Lfunc_end0:
.L_simem_size_0:
called_computation_lowered:
.L_overlay_start_0:
0x88: {  	s2 =	sld [smem:$0x3FD9]  }
0x89: {  	s3 =	sld [smem:$0x3FFE];
	_ =	sdelay $0x1  }
0x8a: {  	s1 =	srdreg.scid  }
0x8b: {  	s0 =	sand.u32 $0x1, s1  }
0x8c: {  	s17 =	sshll.u32 s0, $0xA;
	s2 =	sadd.s32 s3, s2  }
0x8d: {  	s2 =	sadd.s32 s2, s17  }
0x8e: {  	[smem:$0x3FC2] =	sst s2  }
0x8f: {  	_ = 	snop  }
0x90: {  	s2 =	sld [smem:$0x3FD0];
	(tm) =	ssettm $0x1  }
0x91: {  	s18 =	sld [smem:$0x3FFB];
	_ =	sdelay $0x3  }
0x92: {  	_ =	strace s18  }
0x93: {  	s3 =	sld [smem:$0x3FFC];
	_ =	sdelay $0x3  }
0x94: {  	_ =	strace s3  }
0x95: {  	s3 =	sld [smem:$0x3FFD];
	_ =	sdelay $0x3  }
0x96: {  	_ =	strace s3  }
0x97: {  	_ =	strace $0x8FFFFFFF  }
0x98: {  	s19 =	sld [smem:$0x3FDB];
	_ =	sdelay $0x1  }
0x99: {  	s4 =	simm.s32 $_scs_section_size  }
0x9a: {  	s5 =	simm.s32 $_size__tile_overlayer_lowered;
	s6 =	simm.s32 $_tile_overlayer_lowered  }
0x9b: {  	s22 =	simm.s32 $0x1BFF;
	s21 =	sshll.u32 s6, $0x1;
	s3 =	sadd.s32 s4, s19  }
0x9c: {  	s7 =	simm.s32 $0x0;
	s20 =	sshll.u32 s5, $0x1;
	s5 =	sadd.s32 s21, s3  }
0x9d: {  	[timem:s7], [sflag:s22] =	dma.local [hbm:s5], s20  }
0x9e: {  	_ =	swait.ge [sflag:s22], s20  }
0x9f: {  	s4 =	ssub.s32 $0x0, s20;
	[sflag:s22] =	ssyncset.done $0x0  }
0xa0: {  	[sflag:s22] =	ssyncadd.s32 s4;
	_ =	sdelay $0x1  }
0xa1: {  	s23 =	simm.s32 $0x1B8B  }
0xa2: {  	_ =	swait.ge [sflag:s23], $0x1  }
0xa3: {  	[sflag:s23] =	ssyncset.done $0x0  }
0xa4: {  	s25 =	simm.s32 $0x1B8E;
	s24 =	sld [smem:$0x3FFE];
	[sflag:s23] =	ssyncadd.s32 $0xFFFFFFFF  }
0xa5: {  	s26 =	simm.s32 $execute0_lowered;
	[smem:$0x3FD2] =	sst s25  }
0xa6: {  	s5 =	sshll.u32 s26, $0x1;
	_ =	strace $0x80000046;
	[dreg:$0x1] =	wrdreg $0xFFFFFFFF  }
0xa7: {  	s28 =	simm.s32 $_size_execute0_lowered;
	s3 =	sadd.s32 s3, s5;
	[dreg:$0x0] =	wrdreg $0x0  }
0xa8: {  	s5 =	sshll.u32 s28, $0x1;
	[dreg:$0x2] =	wrdreg s3  }
0xa9: {  	[dreg:$0x3] =	wrdreg s5  }
0xaa: {  	[dreg:$0x4] =	wrdreg $0xC0  }
0xab: {  	_ =	task [dreg:s7], $0x5FFFF  }
0xac: {  	[dreg:$0x1] =	wrdreg $0xFFFFFFFF  }
0xad: {  	[dreg:$0x0] =	wrdreg $0x60  }
0xae: {  	[dreg:$0x2] =	wrdreg s24  }
0xaf: {  	[dreg:$0x3] =	wrdreg s2  }
0xb0: {  	[dreg:$0x4] =	wrdreg $0x7A000  }
0xb1: {  	[dreg:$0x5] =	wrdreg $0x9  }
0xb2: {  	_ =	task.clear_ibuf [dreg:s7], $0x6FFFF;
	_ =	strace $0x90000046  }
0xb3: {  	s29 =	simm.s32 $0x9;
	_ =	strace $0x80000048  }
0xb4: {  	_ =	swait.ge [sflag:s29], $0x1  }
0xb5: {  	[sflag:s29] =	ssyncadd.s32 $0xFFFFFFFF  }
0xb6: {  	_ =	strace $0x90000048  }
0xb7: {  	_ =	sfence  }
0xb8: {  	s30 =	sld [smem:$0x0];
	_ =	sdelay $0x2  }
0xb9: {  	s31 =	sshll.u32 s1, $0xD;
	s1 =	sshrl.u32 s1, $0x2  }
0xba: {  	s3 =	sand.u32 $0x4000, s31;
	s1 =	sadd.s32 s1, s30  }
0xbb: {  	s0 =	sor.u32 s3, s0;
	s1 =	sshll.u32 s1, $0x11  }
0xbc: {  	s0 =	sor.u32 s1, s0  }
0xbd: {  	s0 =	sadd.s32 $0x8F2B, s0  }
0xbe: {  	[sflag:s0] =	ssyncadd.remote.s32 $0x1  }
0xbf: {  	_ =	sfence.sel $0xFFFF  }
0xc0: {  	[dreg:$0x0] =	wrdreg $0xFFFFFFFF;
	(pc) =	sbr.abs _section_cstart, $3  }
0xc1: {  	[dreg:$0x1] =	wrdreg $0xFFFFFFFF  }
0xc2: {  	_ =	task.clear_ibuf [dreg:s7], $0x2FFFF;
	_ =	strace $0x9FFFFFFF  }
0xc3: {  	(tm) =	ssettm $0x7FFFFFFF  }
tec
execute0_lowered:
.L_overlay_start_1:
0x0: {  	(tag) =	ssettag $0x1  }
0x1: {  	s0 =	rddreg [dreg:$0x0]  }
0x2: {  	s1 =	rddreg [dreg:$0x1]  }
0x3: {  	s2 =	rddreg [dreg:$0x2];
	s4 =	simm.s32 $0x0  }
0x4: {  	s3 =	srdreg.scid;
	s13 =	stileid.u32;
	s28 =	simm.s32 $0x1  }
0x5: {  	s29 =	simm.s32 $0x2A00;
	s30 =	simm.s32 $0x2;
	s31 =	simm.s32 $0x5200  }
0x6: {  	[smem:$0x7FF] =	sst s4;
	s3 =	sand.u32 $0x1, s3;
	s9 =	smul.u32 $0x14000, s13  }
0x7: {  	s5 =	sadd.s32 $0xAE00, s0;
	s6 =	sadd.s32 $0x1000, s0;
	s10 =	smul.u32 $0x50000, s13  }
0x8: {  	s7 =	sadd.s32 $0x27BE00, s0;
	s19 =	sshll.u32 s13, $0x1;
	s14 =	smul.u32 $0x4EC0, s13  }
0x9: {  	s20 =	sshll.u32 s13, $0x6;
	s8 =	smul.u32 $0x140000, s3;
	s11 =	ssub.s32 $0x2, s3  }
0xa: {  	_ =	strace $0x80000047;
	s12 =	sshrl.u32 s11, $0x1;
	s10 =	sshrl.u32 s10, $0x2  }
0xb: {  	s8 =	sadd.s32 s9, s8;
	s9 =	sor.u32 s3, s19;
	s11 =	ssub.s32 s11, s12  }
0xc: {  	s10 =	sadd.s32 s10, s2;
	s3 =	smul.u32 $0x2760, s3;
	s8 =	sshrl.u32 s8, $0x3  }
0xd: {  	s9 =	smul.u32 $0x2760, s9;
	s24 =	smax.u32 s11, $0x1;
	s0 =	sadd.s32 s8, s0  }
0xe: {  	s8 =	sor.u32 $0x1C03, s20;
	[dreg:$0x8] =	wrdreg s24;
	s3 =	sadd.s32 s3, s14  }
0xf: {  	s20 =	sshrl.u32 s10, $0x3;
	s24 =	simm.s32 $0x200;
	s23 =	sadd.s32 $0x27E600, s0  }
0x10: {  	s9 =	sshrl.u32 s9, $0x3;
	s0 =	sadd.s32 $0x2CE600, s0;
	s26 =	sadd.s32 $0x50, s3  }
0x11: {  	s16 =	sadd.s32 $0xA0, s3;
	s3 =	sshrl.u32 s3, $0x3;
	[dreg:$0x6] =	wrdreg s23  }
0x12: {  	s21 =	sadd.s32 s1, s9;
	s22 =	sadd.s32 s6, s9;
	[dreg:$0x7] =	wrdreg s0  }
0x13: {  	s25 =	sadd.s32 $0x4E2, s9;
	s0 =	sshrl.u32 s26, $0x3;
	s19 =	sadd.s32 s3, s6  }
0x14: {  	s23 =	simm.s32 $0x50;
	s26 =	simm.s32 $0x180;
	[dreg:$0x4] =	wrdreg s21  }
0x15: {  	[dreg:$0x5] =	wrdreg s22;
	s14 =	sadd.s32 s1, s25;
	s15 =	sadd.s32 s6, s25  }
0x16: {  	s17 =	sadd.s32 s0, s6;
	s18 =	sadd.s32 s0, s1;
	s21 =	simm.s32 $0x3  }
0x17: {  	v0 =	vimm.f32 $1.000000000e+00;
	s22 =	simm.s32 $0x100;
	s25 =	simm.s32 $0x80;
	s0 =	simm.s32 $0x0  }
.LBB2_1:
0x18: {  	[spmem:s20], [sflag:s8] =	dma.local [hbm:s7], $0x2800  }
0x19: {  	_ =	swait.ge [sflag:s21], $0x2800  }
0x1a: {  	[sflag:s21] =	ssyncset.done $0x0  }
0x1b: {  	s3 =	simm.s32 $0x0;
	s9 =	simm.s32 $0x200;
	[sflag:s21] =	ssyncadd.s32 $0xFFFFD800  }
.LBB2_2:
0x1c: {  	p0 =	sne.s32 s9, $0x9E00;
	[tilespmem:s3+$0x5270] =	vst v0  }
0x1d: {  	[tilespmem:s3+$0x5200] =	vst v0  }
0x1e: {  	[tilespmem:s3+$0x5210] =	vst v0  }
.Ltmp0:
0x1f: {  	[tilespmem:s3+$0x5220] =	vst v0;
	(pc) =	sbr.rel @p0 .LBB2_2-.Ltmp0, $4  }
0x20: {  	[tilespmem:s3+$0x5230] =	vst v0  }
0x21: {  	[tilespmem:s3+$0x5240] =	vst v0  }
0x22: {  	[tilespmem:s3+$0x5250] =	vst v0  }
0x23: {  	[tilespmem:s3+$0x5260] =	vst v0;
	s3 =	sshra.s32 s9, $0x2;
	s9 =	sadd.s32 $0x200, s9  }
0x24: {  	[tilespmem:s3+$0x5270] =	vst v0  }
0x25: {  	[tilespmem:s3+$0x5200] =	vst v0  }
0x26: {  	[tilespmem:s3+$0x5210] =	vst v0  }
0x27: {  	[tilespmem:s3+$0x5220] =	vst v0  }
0x28: {  	[tilespmem:s3+$0x5230] =	vst v0  }
0x29: {  	[tilespmem:s3+$0x5240] =	vst v0  }
0x2a: {  	[tilespmem:s3+$0x5250] =	vst v0  }
0x2b: {  	[tilespmem:s3+$0x5260] =	vst v0  }
0x2c: {  	[bflag:$0x0] =	sbarrier.arrive $0xFFFF  }
0x2d: {  	s12 =	simm.s32 $0x0;
	s9 =	rddreg [dreg:$0x4]  }
0x2e: {  	[tilespmem:s12], [sflag:$0x3] =	stream.linear.gather [hbm4b:s9+s12], $0x50, $0x38;
	[tilespmem:$0x1BA00] =	vst v63  }
0x2f: {  	_ =	swait.ge [sflag:s21], $0x50  }
0x30: {  	[sflag:s21] =	ssyncset.done $0x0  }
0x31: {  	s13 =	rddreg [dreg:$0x5];
	[sflag:s21] =	ssyncadd.s32 $0xFFFFFFB0  }
0x32: {  	[tilespmem:s22], [sflag:$0x3] =	stream.linear.gather [hbm4b:s13+s12], $0x50, $0x38;
	[tilespmem:$0x1BA00] =	vst v63  }
0x33: {  	_ =	swait.ge [sflag:s21], $0x50  }
0x34: {  	[sflag:s21] =	ssyncset.done $0x0  }
0x35: {  	[sflag:s21] =	ssyncadd.s32 $0xFFFFFFB0  }
0x36: {  	[tilespmem:s24], [sflag:$0x1] =	stream.indirect.gather [hbm4b:s5+s23], $0x80, s12, s23, $0xb8;
	[tilespmem:$0x1BA00] =	vst v63  }
0x37: {  	s10 =	sadd.s32 $0x0, s18  }
0x38: {  	[tilespmem:s25], [sflag:$0x3] =	stream.linear.gather [hbm4b:s10+s4], $0x50, $0x38;
	[tilespmem:$0x1BA00] =	vst v63  }
0x39: {  	_ =	swait.ge [sflag:s21], $0x50  }
0x3a: {  	[sflag:s21] =	ssyncset.done $0x0  }
0x3b: {  	s11 =	sadd.s32 $0x0, s17;
	[sflag:s21] =	ssyncadd.s32 $0xFFFFFFB0  }
0x3c: {  	[tilespmem:s26], [sflag:$0x3] =	stream.linear.gather [hbm4b:s11+s4], $0x50, $0x38;
	[tilespmem:$0x1BA00] =	vst v63  }
0x3d: {  	_ =	swait.ge [sflag:s21], $0x50  }
0x3e: {  	[sflag:s21] =	ssyncset.done $0x0  }
0x3f: {  	[sflag:s21] =	ssyncadd.s32 $0xFFFFFFB0  }
0x40: {  	_ =	swait.ge [sflag:s28], $0x2800  }
0x41: {  	[sflag:s28] =	ssyncset.done $0x0  }
0x42: {  	[sflag:s28] =	ssyncadd.s32 $0xFFFFD800  }
0x43: {  	[tilespmem:s29], [sflag:$0x2] =	stream.indirect.gather [hbm4b:s5+s23], $0x80, s25, s23, $0xb8;
	[tilespmem:$0x1BA00] =	vst v63  }
0x44: {  	_ = 	snop  }
0x45: {  	[spmem:s2] =	stream.indirect.scatter.add.f32 [tilespmem:s24], [sflag:$0x3], $0x80, s22, s23, $0xb8;
	[tilespmem:$0x1BA00] =	vst v63  }
0x46: {  	_ =	swait.ge [sflag:s21], $0x2800  }
0x47: {  	s12 =	sshrl.u32 s16, $0x3;
	[sflag:s21] =	ssyncset.done $0x0  }
0x48: {  	s13 =	sadd.s32 s1, s12;
	[sflag:s21] =	ssyncadd.s32 $0xFFFFD800  }
0x49: {  	[tilespmem:s4], [sflag:$0x3] =	stream.linear.gather [hbm4b:s13+s4], $0x50, $0x38;
	[tilespmem:$0x1BA00] =	vst v63  }
0x4a: {  	_ =	swait.ge [sflag:s21], $0x50  }
0x4b: {  	[sflag:s21] =	ssyncset.done $0x0  }
0x4c: {  	s3 =	sadd.s32 s6, s12;
	[sflag:s21] =	ssyncadd.s32 $0xFFFFFFB0  }
0x4d: {  	[tilespmem:s22], [sflag:$0x3] =	stream.linear.gather [hbm4b:s3+s4], $0x50, $0x38;
	[tilespmem:$0x1BA00] =	vst v63  }
0x4e: {  	_ =	swait.ge [sflag:s21], $0x50  }
0x4f: {  	[sflag:s21] =	ssyncset.done $0x0  }
0x50: {  	[sflag:s21] =	ssyncadd.s32 $0xFFFFFFB0  }
0x51: {  	[tilespmem:s24], [sflag:$0x1] =	stream.indirect.gather [hbm4b:s5+s23], $0x80, s4, s23, $0xb8;
	[tilespmem:$0x1BA00] =	vst v63  }
0x52: {  	_ =	swait.ge [sflag:s30], $0x2800  }
0x53: {  	[sflag:s30] =	ssyncset.done $0x0  }
0x54: {  	[sflag:s30] =	ssyncadd.s32 $0xFFFFD800  }
0x55: {  	[spmem:s2] =	stream.indirect.scatter.add.f32 [tilespmem:s29], [sflag:$0x3], $0x80, s26, s23, $0xb8;
	[tilespmem:$0x1BA00] =	vst v63  }
0x56: {  	s9 =	simm.s32 $0x14;
	_ =	swait.ge [sflag:s21], $0x2800  }
0x57: {  	s10 =	simm.s32 $0x28;
	s3 =	sadd.s32 $0xA0, s16;
	[sflag:s21] =	ssyncset.done $0x0  }
.LBB2_4:
0x58: {  	s12 =	sadd.s32 s9, s18  }
0x59: {  	[sflag:s21] =	ssyncadd.s32 $0xFFFFD800;
	s13 =	smov.u32 s10;
	s11 =	sadd.s32 $0x14, s10  }
0x5a: {  	[tilespmem:s25], [sflag:$0x3] =	stream.linear.gather [hbm4b:s12+s4], $0x50, $0x38;
	[tilespmem:$0x1BA00] =	vst v63  }
0x5b: {  	p0 =	sne.s32 s10, $0x4C4;
	_ =	swait.ge [sflag:s21], $0x50  }
0x5c: {  	[sflag:s21] =	ssyncset.done $0x0  }
0x5d: {  	s10 =	sadd.s32 s9, s17;
	s9 =	smov.u32 s13;
	[sflag:s21] =	ssyncadd.s32 $0xFFFFFFB0  }
0x5e: {  	[tilespmem:s26], [sflag:$0x3] =	stream.linear.gather [hbm4b:s10+s4], $0x50, $0x38;
	[tilespmem:$0x1BA00] =	vst v63  }
0x5f: {  	_ =	swait.ge [sflag:s21], $0x50  }
0x60: {  	[sflag:s21] =	ssyncset.done $0x0  }
0x61: {  	[sflag:s21] =	ssyncadd.s32 $0xFFFFFFB0  }
0x62: {  	_ =	swait.ge [sflag:s28], $0x2800  }
0x63: {  	[sflag:s28] =	ssyncset.done $0x0  }
0x64: {  	[sflag:s28] =	ssyncadd.s32 $0xFFFFD800  }
0x65: {  	[tilespmem:s29], [sflag:$0x2] =	stream.indirect.gather [hbm4b:s5+s23], $0x80, s25, s23, $0xb8;
	[tilespmem:$0x1BA00] =	vst v63  }
0x66: {  	_ = 	snop  }
0x67: {  	[spmem:s2] =	stream.indirect.scatter.add.f32 [tilespmem:s24], [sflag:$0x3], $0x80, s22, s23, $0xb8;
	[tilespmem:$0x1BA00] =	vst v63  }
0x68: {  	_ =	swait.ge [sflag:s21], $0x2800  }
0x69: {  	s10 =	sshrl.u32 s3, $0x3;
	[sflag:s21] =	ssyncset.done $0x0  }
0x6a: {  	s12 =	sadd.s32 s1, s10;
	[sflag:s21] =	ssyncadd.s32 $0xFFFFD800  }
0x6b: {  	[tilespmem:s4], [sflag:$0x3] =	stream.linear.gather [hbm4b:s12+s4], $0x50, $0x38;
	[tilespmem:$0x1BA00] =	vst v63  }
0x6c: {  	_ =	swait.ge [sflag:s21], $0x50  }
0x6d: {  	[sflag:s21] =	ssyncset.done $0x0  }
0x6e: {  	s10 =	sadd.s32 s6, s10;
	[sflag:s21] =	ssyncadd.s32 $0xFFFFFFB0  }
0x6f: {  	[tilespmem:s22], [sflag:$0x3] =	stream.linear.gather [hbm4b:s10+s4], $0x50, $0x38;
	[tilespmem:$0x1BA00] =	vst v63  }
0x70: {  	_ =	swait.ge [sflag:s21], $0x50  }
0x71: {  	[sflag:s21] =	ssyncset.done $0x0  }
0x72: {  	[sflag:s21] =	ssyncadd.s32 $0xFFFFFFB0  }
0x73: {  	[tilespmem:s24], [sflag:$0x1] =	stream.indirect.gather [hbm4b:s5+s23], $0x80, s4, s23, $0xb8;
	[tilespmem:$0x1BA00] =	vst v63  }
0x74: {  	_ =	swait.ge [sflag:s30], $0x2800  }
.Ltmp1:
0x75: {  	[sflag:s30] =	ssyncset.done $0x0;
	(pc) =	sbr.rel @p0 .LBB2_4-.Ltmp1, $4  }
0x76: {  	[sflag:s30] =	ssyncadd.s32 $0xFFFFD800  }
0x77: {  	[spmem:s2] =	stream.indirect.scatter.add.f32 [tilespmem:s29], [sflag:$0x3], $0x80, s26, s23, $0xb8;
	[tilespmem:$0x1BA00] =	vst v63  }
0x78: {  	_ =	swait.ge [sflag:s21], $0x2800  }
0x79: {  	s3 =	sadd.s32 $0xA0, s3;
	s10 =	smov.u32 s11;
	[sflag:s21] =	ssyncset.done $0x0  }
0x7a: {  	s10 =	sadd.s32 s9, s18;
	[sflag:s21] =	ssyncadd.s32 $0xFFFFD800  }
0x7b: {  	[tilespmem:s25], [sflag:$0x3] =	stream.linear.gather [hbm4b:s10+s4], $0x50, $0x38;
	[tilespmem:$0x1BA00] =	vst v63  }
0x7c: {  	_ =	swait.ge [sflag:s21], $0x50  }
0x7d: {  	[sflag:s21] =	ssyncset.done $0x0  }
0x7e: {  	s13 =	sadd.s32 s9, s17;
	[sflag:s21] =	ssyncadd.s32 $0xFFFFFFB0  }
0x7f: {  	[tilespmem:s26], [sflag:$0x3] =	stream.linear.gather [hbm4b:s13+s4], $0x50, $0x38;
	[tilespmem:$0x1BA00] =	vst v63  }
0x80: {  	_ =	swait.ge [sflag:s21], $0x50  }
0x81: {  	[sflag:s21] =	ssyncset.done $0x0  }
0x82: {  	[sflag:s21] =	ssyncadd.s32 $0xFFFFFFB0  }
0x83: {  	_ =	swait.ge [sflag:s28], $0x2800  }
0x84: {  	[sflag:s28] =	ssyncset.done $0x0  }
0x85: {  	[sflag:s28] =	ssyncadd.s32 $0xFFFFD800  }
0x86: {  	[tilespmem:s29], [sflag:$0x2] =	stream.indirect.gather [hbm4b:s5+s23], $0x80, s25, s23, $0xb8;
	[tilespmem:$0x1BA00] =	vst v63  }
0x87: {  	_ = 	snop  }
0x88: {  	[spmem:s2] =	stream.indirect.scatter.add.f32 [tilespmem:s24], [sflag:$0x3], $0x80, s22, s23, $0xb8;
	[tilespmem:$0x1BA00] =	vst v63  }
0x89: {  	_ =	swait.ge [sflag:s21], $0x2800  }
0x8a: {  	s3 =	sshrl.u32 s3, $0x3;
	[sflag:s21] =	ssyncset.done $0x0  }
0x8b: {  	s10 =	sadd.s32 s1, s3;
	[sflag:s21] =	ssyncadd.s32 $0xFFFFD800  }
0x8c: {  	[tilespmem:s4], [sflag:$0x3] =	stream.linear.gather [hbm4b:s10+s4], $0x50, $0x38;
	[tilespmem:$0x1BA00] =	vst v63  }
0x8d: {  	_ =	swait.ge [sflag:s21], $0x50  }
0x8e: {  	[sflag:s21] =	ssyncset.done $0x0  }
0x8f: {  	s3 =	sadd.s32 s6, s3;
	[sflag:s21] =	ssyncadd.s32 $0xFFFFFFB0  }
0x90: {  	[tilespmem:s22], [sflag:$0x3] =	stream.linear.gather [hbm4b:s3+s4], $0x50, $0x38;
	[tilespmem:$0x1BA00] =	vst v63  }
0x91: {  	_ =	swait.ge [sflag:s21], $0x50  }
0x92: {  	[sflag:s21] =	ssyncset.done $0x0  }
0x93: {  	[sflag:s21] =	ssyncadd.s32 $0xFFFFFFB0  }
0x94: {  	[tilespmem:s24], [sflag:$0x1] =	stream.indirect.gather [hbm4b:s5+s23], $0x80, s4, s23, $0xb8;
	[tilespmem:$0x1BA00] =	vst v63  }
0x95: {  	_ =	swait.ge [sflag:s30], $0x2800  }
0x96: {  	[sflag:s30] =	ssyncset.done $0x0  }
0x97: {  	[sflag:s30] =	ssyncadd.s32 $0xFFFFD800  }
0x98: {  	[spmem:s2] =	stream.indirect.scatter.add.f32 [tilespmem:s29], [sflag:$0x3], $0x80, s26, s23, $0xb8;
	[tilespmem:$0x1BA00] =	vst v63  }
0x99: {  	_ =	swait.ge [sflag:s21], $0x2800  }
0x9a: {  	[sflag:s21] =	ssyncset.done $0x0  }
0x9b: {  	s11 =	simm.s32 $0x0;
	[sflag:s21] =	ssyncadd.s32 $0xFFFFD800  }
0x9c: {  	[tilespmem:s25], [sflag:$0x3] =	stream.linear.gather [hbm4b:s14+s11], $0x50, $0x38;
	[tilespmem:$0x1BA00] =	vst v63  }
0x9d: {  	_ =	swait.ge [sflag:s21], $0x50  }
0x9e: {  	[sflag:s21] =	ssyncset.done $0x0  }
0x9f: {  	[sflag:s21] =	ssyncadd.s32 $0xFFFFFFB0  }
0xa0: {  	[tilespmem:s26], [sflag:$0x3] =	stream.linear.gather [hbm4b:s15+s11], $0x50, $0x38;
	[tilespmem:$0x1BA00] =	vst v63  }
0xa1: {  	_ =	swait.ge [sflag:s21], $0x50  }
0xa2: {  	[sflag:s21] =	ssyncset.done $0x0  }
0xa3: {  	[sflag:s21] =	ssyncadd.s32 $0xFFFFFFB0  }
0xa4: {  	_ =	swait.ge [sflag:s28], $0x2800  }
0xa5: {  	[sflag:s28] =	ssyncset.done $0x0  }
0xa6: {  	[sflag:s28] =	ssyncadd.s32 $0xFFFFD800  }
0xa7: {  	[tilespmem:s29], [sflag:$0x2] =	stream.indirect.gather [hbm4b:s5+s23], $0x80, s25, s23, $0xb8;
	[tilespmem:$0x1BA00] =	vst v63  }
0xa8: {  	_ = 	snop  }
0xa9: {  	[spmem:s2] =	stream.indirect.scatter.add.f32 [tilespmem:s24], [sflag:$0x3], $0x80, s22, s23, $0xb8;
	[tilespmem:$0x1BA00] =	vst v63  }
0xaa: {  	_ =	swait.ge [sflag:s21], $0x2800  }
0xab: {  	[sflag:s21] =	ssyncset.done $0x0  }
0xac: {  	[sflag:s21] =	ssyncadd.s32 $0xFFFFD800  }
0xad: {  	_ =	swait.ge [sflag:s30], $0x2800  }
0xae: {  	[sflag:s30] =	ssyncset.done $0x0  }
0xaf: {  	[sflag:s30] =	ssyncadd.s32 $0xFFFFD800  }
0xb0: {  	[spmem:s2] =	stream.indirect.scatter.add.f32 [tilespmem:s29], [sflag:$0x3], $0x80, s26, s23, $0xb8;
	[tilespmem:$0x1BA00] =	vst v63  }
0xb1: {  	_ =	swait.ge [sflag:s21], $0x2800  }
0xb2: {  	[sflag:s21] =	ssyncset.done $0x0  }
0xb3: {  	[sflag:s21] =	ssyncadd.s32 $0xFFFFD800  }
0xb4: {  	[bflag:$0x0] =	sbarrier.arrive $0xFFFF  }
0xb5: {  	s12 =	rddreg [dreg:$0x6]  }
0xb6: {  	[hbm:s12], [sflag:s8] =	dma.local [spmem:s20], $0x2800  }
0xb7: {  	_ =	swait.ge [sflag:s21], $0x2800  }
0xb8: {  	[sflag:s21] =	ssyncset.done $0x0  }
0xb9: {  	[sflag:s21] =	ssyncadd.s32 $0xFFFFD800  }
0xba: {  	[bflag:$0x0] =	sbarrier.arrive $0xFFFF  }
0xbb: {  	[spmem:s20], [sflag:s8] =	dma.local [hbm:s7], $0x2800  }
0xbc: {  	_ =	swait.ge [sflag:s21], $0x2800  }
0xbd: {  	[sflag:s21] =	ssyncset.done $0x0  }
0xbe: {  	[sflag:s21] =	ssyncadd.s32 $0xFFFFD800  }
0xbf: {  	s13 =	sadd.s32 $0x0, s19;
	[bflag:$0x0] =	sbarrier.arrive $0xFFFF  }
0xc0: {  	[tilespmem:s22], [sflag:$0x3] =	stream.linear.gather [hbm4b:s13+s4], $0x50, $0x38;
	[tilespmem:$0x1BA00] =	vst v63  }
0xc1: {  	_ =	swait.ge [sflag:s21], $0x50  }
0xc2: {  	[sflag:s21] =	ssyncset.done $0x0  }
0xc3: {  	[sflag:s21] =	ssyncadd.s32 $0xFFFFFFB0  }
0xc4: {  	[spmem:s2] =	stream.indirect.scatter.add.f32 [tilespmem:s31], [sflag:$0x3], $0x80, s22, s23, $0xb8;
	[tilespmem:$0x1BA00] =	vst v63  }
0xc5: {  	_ =	swait.ge [sflag:s21], $0x2800  }
0xc6: {  	s9 =	simm.s32 $0x14;
	s3 =	simm.s32 $0xA;
	[sflag:s21] =	ssyncset.done $0x0  }
.LBB2_6:
0xc7: {  	s10 =	sadd.s32 s3, s19  }
0xc8: {  	[sflag:s21] =	ssyncadd.s32 $0xFFFFD800;
	s3 =	smov.u32 s9;
	s11 =	sadd.s32 $0xA, s9  }
0xc9: {  	[tilespmem:s22], [sflag:$0x3] =	stream.linear.gather [hbm4b:s10+s4], $0x50, $0x38;
	[tilespmem:$0x1BA00] =	vst v63  }
0xca: {  	p0 =	sne.s32 s9, $0x4E2;
	_ =	swait.ge [sflag:s21], $0x50  }
.Ltmp2:
0xcb: {  	[sflag:s21] =	ssyncset.done $0x0;
	(pc) =	sbr.rel @p0 .LBB2_6-.Ltmp2, $4  }
0xcc: {  	[sflag:s21] =	ssyncadd.s32 $0xFFFFFFB0  }
0xcd: {  	[spmem:s2] =	stream.indirect.scatter.add.f32 [tilespmem:s31], [sflag:$0x3], $0x80, s22, s23, $0xb8;
	[tilespmem:$0x1BA00] =	vst v63  }
0xce: {  	_ =	swait.ge [sflag:s21], $0x2800  }
0xcf: {  	s9 =	smov.u32 s11;
	[sflag:s21] =	ssyncset.done $0x0  }
0xd0: {  	s3 =	sadd.s32 s3, s19;
	[sflag:s21] =	ssyncadd.s32 $0xFFFFD800  }
0xd1: {  	[tilespmem:s22], [sflag:$0x3] =	stream.linear.gather [hbm4b:s3+s4], $0x50, $0x38;
	[tilespmem:$0x1BA00] =	vst v63  }
0xd2: {  	_ =	swait.ge [sflag:s21], $0x50  }
0xd3: {  	[sflag:s21] =	ssyncset.done $0x0  }
0xd4: {  	[sflag:s21] =	ssyncadd.s32 $0xFFFFFFB0  }
0xd5: {  	[spmem:s2] =	stream.indirect.scatter.add.f32 [tilespmem:s31], [sflag:$0x3], $0x80, s22, s23, $0xb8;
	[tilespmem:$0x1BA00] =	vst v63  }
0xd6: {  	_ =	swait.ge [sflag:s21], $0x2800  }
0xd7: {  	[sflag:s21] =	ssyncset.done $0x0  }
0xd8: {  	[sflag:s21] =	ssyncadd.s32 $0xFFFFD800  }
0xd9: {  	[bflag:$0x0] =	sbarrier.arrive $0xFFFF  }
0xda: {  	s12 =	rddreg [dreg:$0x7]  }
0xdb: {  	[hbm:s12], [sflag:s8] =	dma.local [spmem:s20], $0x2800  }
0xdc: {  	_ =	swait.ge [sflag:s21], $0x2800  }
0xdd: {  	s0 =	sadd.s32 $0x1, s0;
	s13 =	rddreg [dreg:$0x8]  }
0xde: {  	p0 =	sne.s32 s0, s13  }
.Ltmp3:
0xdf: {  	_ = 	snop;
	(pc) =	sbr.rel @p0 .LBB2_1-.Ltmp3, $3  }
0xe0: {  	_ =	sdelay $0x1  }
0xe1: {  	[sflag:s21] =	ssyncset.done $0x0  }
0xe2: {  	[sflag:s21] =	ssyncadd.s32 $0xFFFFD800  }
0xe3: {  	_ =	sfence.sel $0x180000  }
0xe4: {  	[bflag:$0x0] =	sbarrier.arrive $0xFFFF  }
0xe5: {  	_ =	strace $0x90000047  }
0xe6: {  	s0 =	stileid.u32;
	[bflag:$0x2] =	sbarrier.arrive $0xFFFF  }
0xe7: {  	p0 =	sne.s32 s0, $0x0;
	s0 =	rddreg [dreg:$0x3]  }
0xe8: {  	s0 =	sadd.s32 @!p0 $0x100000, s0  }
0xe9: {  	[sflag:s0] =	ssyncadd.tile.s32 @!p0 $0x1;
	_ =	shalt  }
.Lfunc_end2:
_tile_overlayer_lowered:
.L_overlay_start_2:
0xea: {  	(tag) =	ssettag $0x2  }
0xeb: {  	s0 =	rddreg [dreg:$0x0];
	s2 =	stileid.u32  }
0xec: {  	s1 =	rddreg [dreg:$0x1];
	p0 =	sne.s32 s2, $0x0  }
0xed: {  	s3 =	rddreg [dreg:$0x2];
	[bflag:$0x3] =	sbarrier.arrive $0xFFFF;
	s2 =	simm.s32 @!p0 $0x1C03  }
0xee: {  	[timem:s3], [sflag:s2] =	dma.local @!p0 [hbm:s0], s1  }
0xef: {  	s0 =	simm.s32 @!p0 $0x3  }
0xf0: {  	_ =	swait.ge @!p0 [sflag:s0], s1  }
0xf1: {  	s1 =	ssub.s32 @!p0 $0x0, s1;
	[sflag:s0] =	ssyncset.done @!p0 $0x0  }
0xf2: {  	[sflag:s0] =	ssyncadd.s32 @!p0 s1  }
0xf3: {  	[bflag:$0x3] =	sbarrier.arrive $0xFFFF  }
0xf4: {  	_ =	shalt  }

</sc_bundles>
